<compile_context>
chip_gen: v7x
topology: tpu7x:2x2x1
jax: 0.10.2.dev20260603
libtpu: 0.0.44.dev20260713+nightly
codegen_flags: <defaults>
</compile_context>

<pallas_src>
import functools

import jax
import jax.numpy as jnp
import numpy as np
from jax import lax
from jax.experimental import pallas as pl
from jax.experimental.pallas import tpu as pltpu
from jax.experimental.pallas import tpu_sc as plsc

E = 320000
D = 128
N = 10000
NC, NS = 2, 16
HALF = N // NC
TBL = HALF + 8
CH = 128
NCHUNK = E // CH
CW = 16
WPT = 312

_mesh = plsc.VectorSubcoreMesh(core_axis_name="c", subcore_axis_name="s")


@functools.partial(
    pl.kernel,
    out_type=(
        jax.ShapeDtypeStruct((N, D), jnp.float32),
        jax.ShapeDtypeStruct((N, CW), jnp.float32),
    ),
    mesh=_mesh,
    scratch_types=[
        pltpu.VMEM((CH,), jnp.int32),
        pltpu.VMEM((CH,), jnp.int32),
        pltpu.VMEM((CH, D), jnp.float32),
        pltpu.VMEM((CH + 16, CW), jnp.float32),
        pltpu.VMEM_SHARED((TBL, D), jnp.float32),
        pltpu.VMEM_SHARED((TBL, CW), jnp.float32),
    ],
)
def _scatter_halves(x_hbm, idx_hbm, aux_hbm, sums_out, cnts_out,
                    idx_v, idx2_v, x_v, aux_v, sums_sh, cnts_sh):
    c = lax.axis_index("c")
    s = lax.axis_index("s")

    zero16 = jnp.zeros((16,), jnp.float32)
    one16 = jnp.ones((16,), jnp.float32)

    def initrow(i, carry):
        for j in range(D // 16):
            x_v[i, pl.ds(16 * j, 16)] = zero16
        return carry

    lax.fori_loop(0, CH, initrow, 0)
    pltpu.sync_copy(aux_hbm, aux_v)

    nclr = jnp.where(s == NS - 1, 13, 20)

    def clr(i, carry):
        row = s * 320 + i * 16
        pltpu.sync_copy(x_v.at[pl.ds(0, 16)], sums_sh.at[pl.ds(row, 16)])
        pltpu.sync_copy(aux_v.at[pl.ds(CH, 16)], cnts_sh.at[pl.ds(row, 16)])
        return carry

    lax.fori_loop(0, nclr, clr, 0)
    plsc.subcore_barrier()

    lo = c * HALF
    nch = jnp.where(s < NCHUNK - 156 * NS, 157, 156)

    def chunk(t, carry):
        off = (t * NS + s) * CH
        pltpu.sync_copy(idx_hbm.at[pl.ds(off, CH)], idx_v)
        first = idx_v[pl.ds(0, 16)][0]
        last = idx_v[pl.ds(CH - 16, 16)][15]

        @pl.when((last >= lo) & (first < lo + HALF))
        def _():
            pltpu.sync_copy(x_hbm.at[pl.ds(off, CH)], x_v)
            for j in range(CH // 16):
                v = idx_v[pl.ds(16 * j, 16)] - lo
                ok = (v >= 0) & (v < HALF)
                idx2_v[pl.ds(16 * j, 16)] = jnp.where(ok, v, HALF)
            pltpu.sync_copy(x_v, sums_sh.at[idx2_v], add=True)
            pltpu.sync_copy(aux_v.at[pl.ds(0, CH)], cnts_sh.at[idx2_v], add=True)

        return carry

    lax.fori_loop(0, nch, chunk, 0)
    plsc.subcore_barrier()

    row0 = s * WPT
    pltpu.sync_copy(sums_sh.at[pl.ds(row0, WPT)],
                    sums_out.at[pl.ds(lo + row0, WPT)])
    pltpu.sync_copy(cnts_sh.at[pl.ds(row0, WPT)],
                    cnts_out.at[pl.ds(lo + row0, WPT)])

    @pl.when(s == NS - 1)
    def _():
        pltpu.sync_copy(sums_sh.at[pl.ds(NS * WPT, 8)],
                        sums_out.at[pl.ds(lo + NS * WPT, 8)])
        pltpu.sync_copy(cnts_sh.at[pl.ds(NS * WPT, 8)],
                        cnts_out.at[pl.ds(lo + NS * WPT, 8)])


def _combine_body(s_ref, c_ref, o_ref):
    cnt = c_ref[:, 0:1]
    o_ref[...] = s_ref[...] / jnp.maximum(cnt, 1.0)


_BN = 1000


_AUX = np.concatenate([np.ones((CH, CW), np.float32),
                       np.zeros((16, CW), np.float32)])


def kernel(x, index):
    sums, cnts = _scatter_halves(x, index, jnp.asarray(_AUX))
    return pl.pallas_call(
        _combine_body,
        grid=(N // _BN,),
        in_specs=[
            pl.BlockSpec((_BN, D), lambda i: (i, 0)),
            pl.BlockSpec((_BN, CW), lambda i: (i, 0)),
        ],
        out_specs=pl.BlockSpec((_BN, D), lambda i: (i, 0)),
        out_shape=jax.ShapeDtypeStruct((N, D), jnp.float32),
    )(sums, cnts)

# --- scband reference (transcript-rebuilt; emitter-appended) ---
"""Pipeline reference for scband-scatter-38843684225659 (READ-ONLY COPY).

The authoritative reference and input builder live on the scoring server;
editing this copy changes nothing except your own understanding.
"""

import jax, jax.numpy as jnp
import numpy as np

N_NODES = 10000
N_EDGES = 320000
D_FEAT = 128


def setup_inputs(seed: int = 0) -> dict:
    key = jax.random.key(seed)
    k1, k2 = jax.random.split(key)
    x = jax.random.normal(k1, (N_EDGES, D_FEAT), dtype=jnp.float32)
    index = jnp.sort(jax.random.randint(k2, (N_EDGES,), 0, N_NODES, dtype=jnp.int32))
    return {"x": x, "index": index}


def reference(x, index):
    # scatter_mean(x, index, dim=0): per-segment sum divided by per-segment count
    sums = jax.ops.segment_sum(x, index, num_segments=N_NODES)
    counts = jax.ops.segment_sum(jnp.ones((x.shape[0],), dtype=x.dtype), index, num_segments=N_NODES)
    counts = jnp.clip(counts, 1.0, None)
    return sums / counts[:, None]

if __name__ == "__main__":
    import jax
    _d = setup_inputs()
    print(jax.jit(kernel)(*tuple(_d.values())))

</pallas_src>

<mosaic_0001>
#map = affine_map<(d0, d1) -> (0, 0)>
#map1 = affine_map<(d0, d1) -> (0)>
module attributes {stable_mosaic.version = 14 : i64} {
  func.func @_scatter_halves(%arg0: i32, %arg1: i32, %arg2: memref<320000x128xf32, #tpu.memory_space<hbm>>, %arg3: memref<320000xi32, #tpu.memory_space<hbm>>, %arg4: memref<144x16xf32, #tpu.memory_space<hbm>>, %arg5: memref<10000x128xf32, #tpu.memory_space<hbm>>, %arg6: memref<10000x16xf32, #tpu.memory_space<hbm>>, %arg7: memref<128xi32, #tpu.memory_space<vmem>>, %arg8: memref<128xi32, #tpu.memory_space<vmem>>, %arg9: memref<128x128xf32, #tpu.memory_space<vmem>>, %arg10: memref<144x16xf32, #tpu.memory_space<vmem>>, %arg11: memref<5008x128xf32, #tpu.memory_space<vmem_shared>>, %arg12: memref<5008x16xf32, #tpu.memory_space<vmem_shared>>) attributes {dimension_semantics = [#tpu.dimension_semantics<core_parallel>, #tpu.dimension_semantics<subcore_parallel>], iteration_bounds = array<i64: 2, 16>, scalar_prefetch = 0 : i64, scratch_operands = 6 : i64, tpu.core_type = #tpu.core_type<sc_vector_subcore>, window_params = [{transform_indices = #map}, {transform_indices = #map1}, {transform_indices = #map}, {transform_indices = #map}, {transform_indices = #map}]} {
    %broadcast_in_dim3A = arith.constant 0.000000e+00 : f32
    %broadcast_in_dim3A_0 = vector.broadcast %broadcast_in_dim3A : f32 to vector<16xf32>
    %broadcast_in_dim3A_1 = arith.constant 1.000000e+00 : f32
    %broadcast_in_dim3A_2 = vector.broadcast %broadcast_in_dim3A_1 : f32 to vector<16xf32>
    %scan3A = arith.constant 0 : i32
    %scan3A_3 = arith.constant 0 : i32
    %scan3A_4 = arith.constant 128 : i32
    %scan3A_5 = arith.addi %scan3A_3, %scan3A_4 : i32
    %scan3A_6 = arith.constant 1 : i32
    scf.for %scan3A_41 = %scan3A_3 to %scan3A_5 step %scan3A_6  : i32 {
      %swap3A = arith.index_cast %scan3A_41 : i32 to index
      %swap3A_42 = arith.constant 0 : index
      %swap3A_43 = tpu.vector_load %arg9[%swap3A, %swap3A_42] {strides = array<i32>} : memref<128x128xf32, #tpu.memory_space<vmem>>, vector<1x16xf32>,
      %swap3A_44 = vector.shape_cast %swap3A_43 : vector<1x16xf32> to vector<16xf32>
      %swap3A_45 = vector.shape_cast %broadcast_in_dim3A_0 : vector<16xf32> to vector<1x16xf32>
      tpu.vector_store %arg9[%swap3A, %swap3A_42], %swap3A_45 {strides = array<i32>} : memref<128x128xf32, #tpu.memory_space<vmem>>, vector<1x16xf32>,
      %swap3A_46 = arith.index_cast %scan3A_41 : i32 to index
      %swap3A_47 = arith.constant 16 : index
      %swap3A_48 = tpu.vector_load %arg9[%swap3A_46, %swap3A_47] {strides = array<i32>} : memref<128x128xf32, #tpu.memory_space<vmem>>, vector<1x16xf32>,
      %swap3A_49 = vector.shape_cast %swap3A_48 : vector<1x16xf32> to vector<16xf32>
      %swap3A_50 = vector.shape_cast %broadcast_in_dim3A_0 : vector<16xf32> to vector<1x16xf32>
      tpu.vector_store %arg9[%swap3A_46, %swap3A_47], %swap3A_50 {strides = array<i32>} : memref<128x128xf32, #tpu.memory_space<vmem>>, vector<1x16xf32>,
      %swap3A_51 = arith.index_cast %scan3A_41 : i32 to index
      %swap3A_52 = arith.constant 32 : index
      %swap3A_53 = tpu.vector_load %arg9[%swap3A_51, %swap3A_52] {strides = array<i32>} : memref<128x128xf32, #tpu.memory_space<vmem>>, vector<1x16xf32>,
      %swap3A_54 = vector.shape_cast %swap3A_53 : vector<1x16xf32> to vector<16xf32>
      %swap3A_55 = vector.shape_cast %broadcast_in_dim3A_0 : vector<16xf32> to vector<1x16xf32>
      tpu.vector_store %arg9[%swap3A_51, %swap3A_52], %swap3A_55 {strides = array<i32>} : memref<128x128xf32, #tpu.memory_space<vmem>>, vector<1x16xf32>,
      %swap3A_56 = arith.index_cast %scan3A_41 : i32 to index
      %swap3A_57 = arith.constant 48 : index
      %swap3A_58 = tpu.vector_load %arg9[%swap3A_56, %swap3A_57] {strides = array<i32>} : memref<128x128xf32, #tpu.memory_space<vmem>>, vector<1x16xf32>,
      %swap3A_59 = vector.shape_cast %swap3A_58 : vector<1x16xf32> to vector<16xf32>
      %swap3A_60 = vector.shape_cast %broadcast_in_dim3A_0 : vector<16xf32> to vector<1x16xf32>
      tpu.vector_store %arg9[%swap3A_56, %swap3A_57], %swap3A_60 {strides = array<i32>} : memref<128x128xf32, #tpu.memory_space<vmem>>, vector<1x16xf32>,
      %swap3A_61 = arith.index_cast %scan3A_41 : i32 to index
      %swap3A_62 = arith.constant 64 : index
      %swap3A_63 = tpu.vector_load %arg9[%swap3A_61, %swap3A_62] {strides = array<i32>} : memref<128x128xf32, #tpu.memory_space<vmem>>, vector<1x16xf32>,
      %swap3A_64 = vector.shape_cast %swap3A_63 : vector<1x16xf32> to vector<16xf32>
      %swap3A_65 = vector.shape_cast %broadcast_in_dim3A_0 : vector<16xf32> to vector<1x16xf32>
      tpu.vector_store %arg9[%swap3A_61, %swap3A_62], %swap3A_65 {strides = array<i32>} : memref<128x128xf32, #tpu.memory_space<vmem>>, vector<1x16xf32>,
      %swap3A_66 = arith.index_cast %scan3A_41 : i32 to index
      %swap3A_67 = arith.constant 80 : index
      %swap3A_68 = tpu.vector_load %arg9[%swap3A_66, %swap3A_67] {strides = array<i32>} : memref<128x128xf32, #tpu.memory_space<vmem>>, vector<1x16xf32>,
      %swap3A_69 = vector.shape_cast %swap3A_68 : vector<1x16xf32> to vector<16xf32>
      %swap3A_70 = vector.shape_cast %broadcast_in_dim3A_0 : vector<16xf32> to vector<1x16xf32>
      tpu.vector_store %arg9[%swap3A_66, %swap3A_67], %swap3A_70 {strides = array<i32>} : memref<128x128xf32, #tpu.memory_space<vmem>>, vector<1x16xf32>,
      %swap3A_71 = arith.index_cast %scan3A_41 : i32 to index
      %swap3A_72 = arith.constant 96 : index
      %swap3A_73 = tpu.vector_load %arg9[%swap3A_71, %swap3A_72] {strides = array<i32>} : memref<128x128xf32, #tpu.memory_space<vmem>>, vector<1x16xf32>,
      %swap3A_74 = vector.shape_cast %swap3A_73 : vector<1x16xf32> to vector<16xf32>
      %swap3A_75 = vector.shape_cast %broadcast_in_dim3A_0 : vector<16xf32> to vector<1x16xf32>
      tpu.vector_store %arg9[%swap3A_71, %swap3A_72], %swap3A_75 {strides = array<i32>} : memref<128x128xf32, #tpu.memory_space<vmem>>, vector<1x16xf32>,
      %swap3A_76 = arith.index_cast %scan3A_41 : i32 to index
      %swap3A_77 = arith.constant 112 : index
      %swap3A_78 = tpu.vector_load %arg9[%swap3A_76, %swap3A_77] {strides = array<i32>} : memref<128x128xf32, #tpu.memory_space<vmem>>, vector<1x16xf32>,
      %swap3A_79 = vector.shape_cast %swap3A_78 : vector<1x16xf32> to vector<16xf32>
      %swap3A_80 = vector.shape_cast %broadcast_in_dim3A_0 : vector<16xf32> to vector<1x16xf32>
      tpu.vector_store %arg9[%swap3A_76, %swap3A_77], %swap3A_80 {strides = array<i32>} : memref<128x128xf32, #tpu.memory_space<vmem>>, vector<1x16xf32>,
    }
    %scan3A_7 = arith.constant 128 : i32
    "tpu.region"() ({
      %run_scoped3A = tpu.sem_alloc : memref<!tpu.dma_semaphore, #tpu.memory_space<semaphore_mem>>
      tpu.enqueue_dma source(%arg4 : memref<144x16xf32, #tpu.memory_space<hbm>>) target(%arg10 : memref<144x16xf32, #tpu.memory_space<vmem>>) target_semaphore(%run_scoped3A : memref<!tpu.dma_semaphore, #tpu.memory_space<semaphore_mem>>)
      tpu.wait_dma2 semaphore(%run_scoped3A : memref<!tpu.dma_semaphore, #tpu.memory_space<semaphore_mem>>) src(%arg4 : memref<144x16xf32, #tpu.memory_space<hbm>>) dst(%arg10 : memref<144x16xf32, #tpu.memory_space<vmem>>)
      tpu.yield
    }) : () -> ()
    %eq3A = arith.constant 15 : i32
    %eq3A_8 = arith.cmpi eq, %arg1, %eq3A : i32
    %jit3A = arith.constant 13 : i32
    %jit3A_9 = arith.constant 20 : i32
    %select_n3A = arith.select %eq3A_8, %jit3A, %jit3A_9 : i32
    %while3A = arith.constant 0 : i32
    %while3A_10 = arith.constant 0 : i32
    %while3A_11 = arith.subi %select_n3A, %while3A_10 : i32
    %while3A_12 = arith.addi %while3A_10, %while3A_11 : i32
    %while3A_13 = arith.constant 1 : i32
    %while3A_14 = arith.divsi %while3A_11, %while3A_13 : i32
    %while3A_15 = arith.muli %while3A_14, %while3A_13 : i32
    %while3A_16 = arith.addi %while3A_10, %while3A_15 : i32
    %while3A_17 = arith.constant 1 : i32
    scf.for %while3A_41 = %while3A_10 to %while3A_16 step %while3A_17  : i32 {
      %mul3A_42 = arith.constant 320 : i32
      %mul3A_43 = arith.muli %arg1, %mul3A_42 : i32
      %mul3A_44 = arith.constant 16 : i32
      %mul3A_45 = arith.muli %while3A_41, %mul3A_44 : i32
      %add3A_46 = arith.addi %mul3A_43, %mul3A_45 : i32
      "tpu.region"() ({
        %run_scoped3A = tpu.sem_alloc : memref<!tpu.dma_semaphore, #tpu.memory_space<semaphore_mem>>
        %dma_start3A = arith.constant 0 : i32
        %dma_start3A_47 = arith.constant 0 : i32
        %dma_start3A_48 = tpu.memref_slice %arg9[%dma_start3A, %dma_start3A_47] : memref<128x128xf32, #tpu.memory_space<vmem>> -> memref<16x128xf32, #tpu.memory_space<vmem>>
        %dma_start3A_49 = arith.constant 0 : i32
        %dma_start3A_50 = tpu.memref_slice %arg11[%add3A_46, %dma_start3A_49] : memref<5008x128xf32, #tpu.memory_space<vmem_shared>> -> memref<16x128xf32, #tpu.memory_space<vmem_shared>>
        %dma_start3A_51 = arith.constant 0 : i32
        %dma_start3A_52 = tpu.memref_slice %arg11[%add3A_46, %dma_start3A_51] : memref<5008x128xf32, #tpu.memory_space<vmem_shared>> -> memref<16x128xf32, #tpu.memory_space<vmem_shared>>
        %dma_start3A_53 = arith.constant 0 : i32
        %dma_start3A_54 = arith.constant 0 : i32
        %dma_start3A_55 = tpu.memref_slice %arg9[%dma_start3A_53, %dma_start3A_54] : memref<128x128xf32, #tpu.memory_space<vmem>> -> memref<16x128xf32, #tpu.memory_space<vmem>>
        tpu.enqueue_dma source(%dma_start3A_55 : memref<16x128xf32, #tpu.memory_space<vmem>>) target(%dma_start3A_52 : memref<16x128xf32, #tpu.memory_space<vmem_shared>>) target_semaphore(%run_scoped3A : memref<!tpu.dma_semaphore, #tpu.memory_space<semaphore_mem>>)
        %dma_wait3A = arith.constant 0 : i32
        %dma_wait3A_56 = arith.constant 0 : i32
        %dma_wait3A_57 = tpu.memref_slice %arg9[%dma_wait3A, %dma_wait3A_56] : memref<128x128xf32, #tpu.memory_space<vmem>> -> memref<16x128xf32, #tpu.memory_space<vmem>>
        %dma_wait3A_58 = arith.constant 0 : i32
        %dma_wait3A_59 = tpu.memref_slice %arg11[%add3A_46, %dma_wait3A_58] : memref<5008x128xf32, #tpu.memory_space<vmem_shared>> -> memref<16x128xf32, #tpu.memory_space<vmem_shared>>
        %dma_wait3A_60 = arith.constant 0 : i32
        %dma_wait3A_61 = tpu.memref_slice %arg11[%add3A_46, %dma_wait3A_60] : memref<5008x128xf32, #tpu.memory_space<vmem_shared>> -> memref<16x128xf32, #tpu.memory_space<vmem_shared>>
        %dma_wait3A_62 = arith.constant 0 : i32
        %dma_wait3A_63 = arith.constant 0 : i32
        %dma_wait3A_64 = tpu.memref_slice %arg9[%dma_wait3A_62, %dma_wait3A_63] : memref<128x128xf32, #tpu.memory_space<vmem>> -> memref<16x128xf32, #tpu.memory_space<vmem>>
        tpu.wait_dma2 semaphore(%run_scoped3A : memref<!tpu.dma_semaphore, #tpu.memory_space<semaphore_mem>>) src(%dma_wait3A_64 : memref<16x128xf32, #tpu.memory_space<vmem>>) dst(%dma_wait3A_61 : memref<16x128xf32, #tpu.memory_space<vmem_shared>>)
        tpu.yield
      }) : () -> ()
      "tpu.region"() ({
        %run_scoped3A = tpu.sem_alloc : memref<!tpu.dma_semaphore, #tpu.memory_space<semaphore_mem>>
        %dma_start3A = arith.constant 128 : i32
        %dma_start3A_47 = arith.constant 0 : i32
        %dma_start3A_48 = tpu.memref_slice %arg10[%dma_start3A, %dma_start3A_47] : memref<144x16xf32, #tpu.memory_space<vmem>> -> memref<16x16xf32, #tpu.memory_space<vmem>>
        %dma_start3A_49 = arith.constant 0 : i32
        %dma_start3A_50 = tpu.memref_slice %arg12[%add3A_46, %dma_start3A_49] : memref<5008x16xf32, #tpu.memory_space<vmem_shared>> -> memref<16x16xf32, #tpu.memory_space<vmem_shared>>
        %dma_start3A_51 = arith.constant 0 : i32
        %dma_start3A_52 = tpu.memref_slice %arg12[%add3A_46, %dma_start3A_51] : memref<5008x16xf32, #tpu.memory_space<vmem_shared>> -> memref<16x16xf32, #tpu.memory_space<vmem_shared>>
        %dma_start3A_53 = arith.constant 128 : i32
        %dma_start3A_54 = arith.constant 0 : i32
        %dma_start3A_55 = tpu.memref_slice %arg10[%dma_start3A_53, %dma_start3A_54] : memref<144x16xf32, #tpu.memory_space<vmem>> -> memref<16x16xf32, #tpu.memory_space<vmem>>
        tpu.enqueue_dma source(%dma_start3A_55 : memref<16x16xf32, #tpu.memory_space<vmem>>) target(%dma_start3A_52 : memref<16x16xf32, #tpu.memory_space<vmem_shared>>) target_semaphore(%run_scoped3A : memref<!tpu.dma_semaphore, #tpu.memory_space<semaphore_mem>>)
        %dma_wait3A = arith.constant 128 : i32
        %dma_wait3A_56 = arith.constant 0 : i32
        %dma_wait3A_57 = tpu.memref_slice %arg10[%dma_wait3A, %dma_wait3A_56] : memref<144x16xf32, #tpu.memory_space<vmem>> -> memref<16x16xf32, #tpu.memory_space<vmem>>
        %dma_wait3A_58 = arith.constant 0 : i32
        %dma_wait3A_59 = tpu.memref_slice %arg12[%add3A_46, %dma_wait3A_58] : memref<5008x16xf32, #tpu.memory_space<vmem_shared>> -> memref<16x16xf32, #tpu.memory_space<vmem_shared>>
        %dma_wait3A_60 = arith.constant 0 : i32
        %dma_wait3A_61 = tpu.memref_slice %arg12[%add3A_46, %dma_wait3A_60] : memref<5008x16xf32, #tpu.memory_space<vmem_shared>> -> memref<16x16xf32, #tpu.memory_space<vmem_shared>>
        %dma_wait3A_62 = arith.constant 128 : i32
        %dma_wait3A_63 = arith.constant 0 : i32
        %dma_wait3A_64 = tpu.memref_slice %arg10[%dma_wait3A_62, %dma_wait3A_63] : memref<144x16xf32, #tpu.memory_space<vmem>> -> memref<16x16xf32, #tpu.memory_space<vmem>>
        tpu.wait_dma2 semaphore(%run_scoped3A : memref<!tpu.dma_semaphore, #tpu.memory_space<semaphore_mem>>) src(%dma_wait3A_64 : memref<16x16xf32, #tpu.memory_space<vmem>>) dst(%dma_wait3A_61 : memref<16x16xf32, #tpu.memory_space<vmem_shared>>)
        tpu.yield
      }) : () -> ()
    }
    %while3A_18 = arith.constant 1 : i32
    scf.for %while3A_41 = %while3A_16 to %while3A_12 step %while3A_18  : i32 {
      %mul3A_42 = arith.constant 320 : i32
      %mul3A_43 = arith.muli %arg1, %mul3A_42 : i32
      %mul3A_44 = arith.constant 16 : i32
      %mul3A_45 = arith.muli %while3A_41, %mul3A_44 : i32
      %add3A_46 = arith.addi %mul3A_43, %mul3A_45 : i32
      "tpu.region"() ({
        %run_scoped3A = tpu.sem_alloc : memref<!tpu.dma_semaphore, #tpu.memory_space<semaphore_mem>>
        %dma_start3A = arith.constant 0 : i32
        %dma_start3A_47 = arith.constant 0 : i32
        %dma_start3A_48 = tpu.memref_slice %arg9[%dma_start3A, %dma_start3A_47] : memref<128x128xf32, #tpu.memory_space<vmem>> -> memref<16x128xf32, #tpu.memory_space<vmem>>
        %dma_start3A_49 = arith.constant 0 : i32
        %dma_start3A_50 = tpu.memref_slice %arg11[%add3A_46, %dma_start3A_49] : memref<5008x128xf32, #tpu.memory_space<vmem_shared>> -> memref<16x128xf32, #tpu.memory_space<vmem_shared>>
        %dma_start3A_51 = arith.constant 0 : i32
        %dma_start3A_52 = tpu.memref_slice %arg11[%add3A_46, %dma_start3A_51] : memref<5008x128xf32, #tpu.memory_space<vmem_shared>> -> memref<16x128xf32, #tpu.memory_space<vmem_shared>>
        %dma_start3A_53 = arith.constant 0 : i32
        %dma_start3A_54 = arith.constant 0 : i32
        %dma_start3A_55 = tpu.memref_slice %arg9[%dma_start3A_53, %dma_start3A_54] : memref<128x128xf32, #tpu.memory_space<vmem>> -> memref<16x128xf32, #tpu.memory_space<vmem>>
        tpu.enqueue_dma source(%dma_start3A_55 : memref<16x128xf32, #tpu.memory_space<vmem>>) target(%dma_start3A_52 : memref<16x128xf32, #tpu.memory_space<vmem_shared>>) target_semaphore(%run_scoped3A : memref<!tpu.dma_semaphore, #tpu.memory_space<semaphore_mem>>)
        %dma_wait3A = arith.constant 0 : i32
        %dma_wait3A_56 = arith.constant 0 : i32
        %dma_wait3A_57 = tpu.memref_slice %arg9[%dma_wait3A, %dma_wait3A_56] : memref<128x128xf32, #tpu.memory_space<vmem>> -> memref<16x128xf32, #tpu.memory_space<vmem>>
        %dma_wait3A_58 = arith.constant 0 : i32
        %dma_wait3A_59 = tpu.memref_slice %arg11[%add3A_46, %dma_wait3A_58] : memref<5008x128xf32, #tpu.memory_space<vmem_shared>> -> memref<16x128xf32, #tpu.memory_space<vmem_shared>>
        %dma_wait3A_60 = arith.constant 0 : i32
        %dma_wait3A_61 = tpu.memref_slice %arg11[%add3A_46, %dma_wait3A_60] : memref<5008x128xf32, #tpu.memory_space<vmem_shared>> -> memref<16x128xf32, #tpu.memory_space<vmem_shared>>
        %dma_wait3A_62 = arith.constant 0 : i32
        %dma_wait3A_63 = arith.constant 0 : i32
        %dma_wait3A_64 = tpu.memref_slice %arg9[%dma_wait3A_62, %dma_wait3A_63] : memref<128x128xf32, #tpu.memory_space<vmem>> -> memref<16x128xf32, #tpu.memory_space<vmem>>
        tpu.wait_dma2 semaphore(%run_scoped3A : memref<!tpu.dma_semaphore, #tpu.memory_space<semaphore_mem>>) src(%dma_wait3A_64 : memref<16x128xf32, #tpu.memory_space<vmem>>) dst(%dma_wait3A_61 : memref<16x128xf32, #tpu.memory_space<vmem_shared>>)
        tpu.yield
      }) : () -> ()
      "tpu.region"() ({
        %run_scoped3A = tpu.sem_alloc : memref<!tpu.dma_semaphore, #tpu.memory_space<semaphore_mem>>
        %dma_start3A = arith.constant 128 : i32
        %dma_start3A_47 = arith.constant 0 : i32
        %dma_start3A_48 = tpu.memref_slice %arg10[%dma_start3A, %dma_start3A_47] : memref<144x16xf32, #tpu.memory_space<vmem>> -> memref<16x16xf32, #tpu.memory_space<vmem>>
        %dma_start3A_49 = arith.constant 0 : i32
        %dma_start3A_50 = tpu.memref_slice %arg12[%add3A_46, %dma_start3A_49] : memref<5008x16xf32, #tpu.memory_space<vmem_shared>> -> memref<16x16xf32, #tpu.memory_space<vmem_shared>>
        %dma_start3A_51 = arith.constant 0 : i32
        %dma_start3A_52 = tpu.memref_slice %arg12[%add3A_46, %dma_start3A_51] : memref<5008x16xf32, #tpu.memory_space<vmem_shared>> -> memref<16x16xf32, #tpu.memory_space<vmem_shared>>
        %dma_start3A_53 = arith.constant 128 : i32
        %dma_start3A_54 = arith.constant 0 : i32
        %dma_start3A_55 = tpu.memref_slice %arg10[%dma_start3A_53, %dma_start3A_54] : memref<144x16xf32, #tpu.memory_space<vmem>> -> memref<16x16xf32, #tpu.memory_space<vmem>>
        tpu.enqueue_dma source(%dma_start3A_55 : memref<16x16xf32, #tpu.memory_space<vmem>>) target(%dma_start3A_52 : memref<16x16xf32, #tpu.memory_space<vmem_shared>>) target_semaphore(%run_scoped3A : memref<!tpu.dma_semaphore, #tpu.memory_space<semaphore_mem>>)
        %dma_wait3A = arith.constant 128 : i32
        %dma_wait3A_56 = arith.constant 0 : i32
        %dma_wait3A_57 = tpu.memref_slice %arg10[%dma_wait3A, %dma_wait3A_56] : memref<144x16xf32, #tpu.memory_space<vmem>> -> memref<16x16xf32, #tpu.memory_space<vmem>>
        %dma_wait3A_58 = arith.constant 0 : i32
        %dma_wait3A_59 = tpu.memref_slice %arg12[%add3A_46, %dma_wait3A_58] : memref<5008x16xf32, #tpu.memory_space<vmem_shared>> -> memref<16x16xf32, #tpu.memory_space<vmem_shared>>
        %dma_wait3A_60 = arith.constant 0 : i32
        %dma_wait3A_61 = tpu.memref_slice %arg12[%add3A_46, %dma_wait3A_60] : memref<5008x16xf32, #tpu.memory_space<vmem_shared>> -> memref<16x16xf32, #tpu.memory_space<vmem_shared>>
        %dma_wait3A_62 = arith.constant 128 : i32
        %dma_wait3A_63 = arith.constant 0 : i32
        %dma_wait3A_64 = tpu.memref_slice %arg10[%dma_wait3A_62, %dma_wait3A_63] : memref<144x16xf32, #tpu.memory_space<vmem>> -> memref<16x16xf32, #tpu.memory_space<vmem>>
        tpu.wait_dma2 semaphore(%run_scoped3A : memref<!tpu.dma_semaphore, #tpu.memory_space<semaphore_mem>>) src(%dma_wait3A_64 : memref<16x16xf32, #tpu.memory_space<vmem>>) dst(%dma_wait3A_61 : memref<16x16xf32, #tpu.memory_space<vmem_shared>>)
        tpu.yield
      }) : () -> ()
    }
    %barrier3A = arith.constant 0 : index
    tpu.barrier barrier_id(%barrier3A)
    %mul3A = arith.constant 5000 : i32
    %mul3A_19 = arith.muli %arg0, %mul3A : i32
    %lt3A = arith.constant 4 : i32
    %lt3A_20 = arith.cmpi slt, %arg1, %lt3A : i32
    %jit3A_21 = arith.constant 157 : i32
    %jit3A_22 = arith.constant 156 : i32
    %select_n3A_23 = arith.select %lt3A_20, %jit3A_21, %jit3A_22 : i32
    %while3A_24 = arith.constant 0 : i32
    %while3A_25 = arith.constant 0 : i32
    %while3A_26 = arith.subi %select_n3A_23, %while3A_25 : i32
    %while3A_27 = arith.addi %while3A_25, %while3A_26 : i32
    %while3A_28 = arith.constant 1 : i32
    %while3A_29 = arith.divsi %while3A_26, %while3A_28 : i32
    %while3A_30 = arith.muli %while3A_29, %while3A_28 : i32
    %while3A_31 = arith.addi %while3A_25, %while3A_30 : i32
    %while3A_32 = arith.constant 1 : i32
    scf.for %while3A_41 = %while3A_25 to %while3A_31 step %while3A_32  : i32 {
      %mul3A_42 = arith.constant 16 : i32
      %mul3A_43 = arith.muli %while3A_41, %mul3A_42 : i32
      %add3A_44 = arith.addi %mul3A_43, %arg1 : i32
      %mul3A_45 = arith.constant 128 : i32
      %mul3A_46 = arith.muli %add3A_44, %mul3A_45 : i32
      "tpu.region"() ({
        %run_scoped3A = tpu.sem_alloc : memref<!tpu.dma_semaphore, #tpu.memory_space<semaphore_mem>>
        %dma_start3A = tpu.memref_slice %arg3[%mul3A_46] : memref<320000xi32, #tpu.memory_space<hbm>> -> memref<128xi32, #tpu.memory_space<hbm>>
        %dma_start3A_60 = tpu.memref_slice %arg3[%mul3A_46] : memref<320000xi32, #tpu.memory_space<hbm>> -> memref<128xi32, #tpu.memory_space<hbm>>
        tpu.enqueue_dma source(%dma_start3A_60 : memref<128xi32, #tpu.memory_space<hbm>>) target(%arg7 : memref<128xi32, #tpu.memory_space<vmem>>) target_semaphore(%run_scoped3A : memref<!tpu.dma_semaphore, #tpu.memory_space<semaphore_mem>>)
        %dma_wait3A = tpu.memref_slice %arg3[%mul3A_46] : memref<320000xi32, #tpu.memory_space<hbm>> -> memref<128xi32, #tpu.memory_space<hbm>>
        %dma_wait3A_61 = tpu.memref_slice %arg3[%mul3A_46] : memref<320000xi32, #tpu.memory_space<hbm>> -> memref<128xi32, #tpu.memory_space<hbm>>
        tpu.wait_dma2 semaphore(%run_scoped3A : memref<!tpu.dma_semaphore, #tpu.memory_space<semaphore_mem>>) src(%dma_wait3A_61 : memref<128xi32, #tpu.memory_space<hbm>>) dst(%arg7 : memref<128xi32, #tpu.memory_space<vmem>>)
        tpu.yield
      }) : () -> ()
      %get3A = arith.constant 0 : index
      %get3A_47 = tpu.vector_load %arg7[%get3A] {strides = array<i32>} : memref<128xi32, #tpu.memory_space<vmem>>, vector<16xi32>,
      %get3A_48 = vector.shape_cast %get3A_47 : vector<16xi32> to vector<16xi32>
      %slice3A = vector.extract_strided_slice %get3A_48 {offsets = [0], sizes = [1], strides = [1]} : vector<16xi32> to vector<1xi32>
      %squeeze3A = vector.extract %slice3A[0] : i32 from vector<1xi32>
      %get3A_49 = arith.constant 112 : index
      %get3A_50 = tpu.vector_load %arg7[%get3A_49] {strides = array<i32>} : memref<128xi32, #tpu.memory_space<vmem>>, vector<16xi32>,
      %get3A_51 = vector.shape_cast %get3A_50 : vector<16xi32> to vector<16xi32>
      %slice3A_52 = vector.extract_strided_slice %get3A_51 {offsets = [15], sizes = [1], strides = [1]} : vector<16xi32> to vector<1xi32>
      %squeeze3A_53 = vector.extract %slice3A_52[0] : i32 from vector<1xi32>
      %ge3A = arith.cmpi sge, %squeeze3A_53, %mul3A_19 : i32
      %add3A_54 = arith.constant 5000 : i32
      %add3A_55 = arith.addi %mul3A_19, %add3A_54 : i32
      %lt3A_56 = arith.cmpi slt, %squeeze3A, %add3A_55 : i32
      %and3A = arith.andi %ge3A, %lt3A_56 : i1
      %convert_element_type3A_57 = arith.extui %and3A : i1 to i32
      %cond3A_58 = arith.constant 0 : i32
      %cond3A_59 = arith.cmpi ne, %convert_element_type3A_57, %cond3A_58 : i32
      scf.if %cond3A_59 {
        "tpu.region"() ({
          %run_scoped3A = tpu.sem_alloc : memref<!tpu.dma_semaphore, #tpu.memory_space<semaphore_mem>>
          %dma_start3A = arith.constant 0 : i32
          %dma_start3A_210 = tpu.memref_slice %arg2[%mul3A_46, %dma_start3A] : memref<320000x128xf32, #tpu.memory_space<hbm>> -> memref<128x128xf32, #tpu.memory_space<hbm>>
          %dma_start3A_211 = arith.constant 0 : i32
          %dma_start3A_212 = tpu.memref_slice %arg2[%mul3A_46, %dma_start3A_211] : memref<320000x128xf32, #tpu.memory_space<hbm>> -> memref<128x128xf32, #tpu.memory_space<hbm>>
          tpu.enqueue_dma source(%dma_start3A_212 : memref<128x128xf32, #tpu.memory_space<hbm>>) target(%arg9 : memref<128x128xf32, #tpu.memory_space<vmem>>) target_semaphore(%run_scoped3A : memref<!tpu.dma_semaphore, #tpu.memory_space<semaphore_mem>>)
          %dma_wait3A = arith.constant 0 : i32
          %dma_wait3A_213 = tpu.memref_slice %arg2[%mul3A_46, %dma_wait3A] : memref<320000x128xf32, #tpu.memory_space<hbm>> -> memref<128x128xf32, #tpu.memory_space<hbm>>
          %dma_wait3A_214 = arith.constant 0 : i32
          %dma_wait3A_215 = tpu.memref_slice %arg2[%mul3A_46, %dma_wait3A_214] : memref<320000x128xf32, #tpu.memory_space<hbm>> -> memref<128x128xf32, #tpu.memory_space<hbm>>
          tpu.wait_dma2 semaphore(%run_scoped3A : memref<!tpu.dma_semaphore, #tpu.memory_space<semaphore_mem>>) src(%dma_wait3A_215 : memref<128x128xf32, #tpu.memory_space<hbm>>) dst(%arg9 : memref<128x128xf32, #tpu.memory_space<vmem>>)
          tpu.yield
        }) : () -> ()
        %get3A_60 = arith.constant 0 : index
        %get3A_61 = tpu.vector_load %arg7[%get3A_60] {strides = array<i32>} : memref<128xi32, #tpu.memory_space<vmem>>, vector<16xi32>,
        %get3A_62 = vector.shape_cast %get3A_61 : vector<16xi32> to vector<16xi32>
        %sub3A = vector.broadcast %mul3A_19 : i32 to vector<16xi32>
        %sub3A_63 = arith.subi %get3A_62, %sub3A : vector<16xi32>
        %ge3A_64 = arith.constant 0 : i32
        %ge3A_65 = vector.broadcast %ge3A_64 : i32 to vector<16xi32>
        %ge3A_66 = arith.cmpi sge, %sub3A_63, %ge3A_65 : vector<16xi32>
        %lt3A_67 = arith.constant 5000 : i32
        %lt3A_68 = vector.broadcast %lt3A_67 : i32 to vector<16xi32>
        %lt3A_69 = arith.cmpi slt, %sub3A_63, %lt3A_68 : vector<16xi32>
        %and3A_70 = arith.andi %ge3A_66, %lt3A_69 : vector<16xi1>
        %jit3A_71 = arith.constant 5000 : i32
        %broadcast_in_dim3A_72 = vector.broadcast %jit3A_71 : i32 to vector<16xi32>
        %select_n3A_73 = arith.select %and3A_70, %sub3A_63, %broadcast_in_dim3A_72 : vector<16xi1>, vector<16xi32>
        %swap3A = arith.constant 0 : index
        %swap3A_74 = tpu.vector_load %arg8[%swap3A] {strides = array<i32>} : memref<128xi32, #tpu.memory_space<vmem>>, vector<16xi32>,
        %swap3A_75 = vector.shape_cast %swap3A_74 : vector<16xi32> to vector<16xi32>
        %swap3A_76 = vector.shape_cast %select_n3A_73 : vector<16xi32> to vector<16xi32>
        tpu.vector_store %arg8[%swap3A], %swap3A_76 {strides = array<i32>} : memref<128xi32, #tpu.memory_space<vmem>>, vector<16xi32>,
        %get3A_77 = arith.constant 16 : index
        %get3A_78 = tpu.vector_load %arg7[%get3A_77] {strides = array<i32>} : memref<128xi32, #tpu.memory_space<vmem>>, vector<16xi32>,
        %get3A_79 = vector.shape_cast %get3A_78 : vector<16xi32> to vector<16xi32>
        %sub3A_80 = vector.broadcast %mul3A_19 : i32 to vector<16xi32>
        %sub3A_81 = arith.subi %get3A_79, %sub3A_80 : vector<16xi32>
        %ge3A_82 = arith.constant 0 : i32
        %ge3A_83 = vector.broadcast %ge3A_82 : i32 to vector<16xi32>
        %ge3A_84 = arith.cmpi sge, %sub3A_81, %ge3A_83 : vector<16xi32>
        %lt3A_85 = arith.constant 5000 : i32
        %lt3A_86 = vector.broadcast %lt3A_85 : i32 to vector<16xi32>
        %lt3A_87 = arith.cmpi slt, %sub3A_81, %lt3A_86 : vector<16xi32>
        %and3A_88 = arith.andi %ge3A_84, %lt3A_87 : vector<16xi1>
        %jit3A_89 = arith.constant 5000 : i32
        %broadcast_in_dim3A_90 = vector.broadcast %jit3A_89 : i32 to vector<16xi32>
        %select_n3A_91 = arith.select %and3A_88, %sub3A_81, %broadcast_in_dim3A_90 : vector<16xi1>, vector<16xi32>
        %swap3A_92 = arith.constant 16 : index
        %swap3A_93 = tpu.vector_load %arg8[%swap3A_92] {strides = array<i32>} : memref<128xi32, #tpu.memory_space<vmem>>, vector<16xi32>,
        %swap3A_94 = vector.shape_cast %swap3A_93 : vector<16xi32> to vector<16xi32>
        %swap3A_95 = vector.shape_cast %select_n3A_91 : vector<16xi32> to vector<16xi32>
        tpu.vector_store %arg8[%swap3A_92], %swap3A_95 {strides = array<i32>} : memref<128xi32, #tpu.memory_space<vmem>>, vector<16xi32>,
        %get3A_96 = arith.constant 32 : index
        %get3A_97 = tpu.vector_load %arg7[%get3A_96] {strides = array<i32>} : memref<128xi32, #tpu.memory_space<vmem>>, vector<16xi32>,
        %get3A_98 = vector.shape_cast %get3A_97 : vector<16xi32> to vector<16xi32>
        %sub3A_99 = vector.broadcast %mul3A_19 : i32 to vector<16xi32>
        %sub3A_100 = arith.subi %get3A_98, %sub3A_99 : vector<16xi32>
        %ge3A_101 = arith.constant 0 : i32
        %ge3A_102 = vector.broadcast %ge3A_101 : i32 to vector<16xi32>
        %ge3A_103 = arith.cmpi sge, %sub3A_100, %ge3A_102 : vector<16xi32>
        %lt3A_104 = arith.constant 5000 : i32
        %lt3A_105 = vector.broadcast %lt3A_104 : i32 to vector<16xi32>
        %lt3A_106 = arith.cmpi slt, %sub3A_100, %lt3A_105 : vector<16xi32>
        %and3A_107 = arith.andi %ge3A_103, %lt3A_106 : vector<16xi1>
        %jit3A_108 = arith.constant 5000 : i32
        %broadcast_in_dim3A_109 = vector.broadcast %jit3A_108 : i32 to vector<16xi32>
        %select_n3A_110 = arith.select %and3A_107, %sub3A_100, %broadcast_in_dim3A_109 : vector<16xi1>, vector<16xi32>
        %swap3A_111 = arith.constant 32 : index
        %swap3A_112 = tpu.vector_load %arg8[%swap3A_111] {strides = array<i32>} : memref<128xi32, #tpu.memory_space<vmem>>, vector<16xi32>,
        %swap3A_113 = vector.shape_cast %swap3A_112 : vector<16xi32> to vector<16xi32>
        %swap3A_114 = vector.shape_cast %select_n3A_110 : vector<16xi32> to vector<16xi32>
        tpu.vector_store %arg8[%swap3A_111], %swap3A_114 {strides = array<i32>} : memref<128xi32, #tpu.memory_space<vmem>>, vector<16xi32>,
        %get3A_115 = arith.constant 48 : index
        %get3A_116 = tpu.vector_load %arg7[%get3A_115] {strides = array<i32>} : memref<128xi32, #tpu.memory_space<vmem>>, vector<16xi32>,
        %get3A_117 = vector.shape_cast %get3A_116 : vector<16xi32> to vector<16xi32>
        %sub3A_118 = vector.broadcast %mul3A_19 : i32 to vector<16xi32>
        %sub3A_119 = arith.subi %get3A_117, %sub3A_118 : vector<16xi32>
        %ge3A_120 = arith.constant 0 : i32
        %ge3A_121 = vector.broadcast %ge3A_120 : i32 to vector<16xi32>
        %ge3A_122 = arith.cmpi sge, %sub3A_119, %ge3A_121 : vector<16xi32>
        %lt3A_123 = arith.constant 5000 : i32
        %lt3A_124 = vector.broadcast %lt3A_123 : i32 to vector<16xi32>
        %lt3A_125 = arith.cmpi slt, %sub3A_119, %lt3A_124 : vector<16xi32>
        %and3A_126 = arith.andi %ge3A_122, %lt3A_125 : vector<16xi1>
        %jit3A_127 = arith.constant 5000 : i32
        %broadcast_in_dim3A_128 = vector.broadcast %jit3A_127 : i32 to vector<16xi32>
        %select_n3A_129 = arith.select %and3A_126, %sub3A_119, %broadcast_in_dim3A_128 : vector<16xi1>, vector<16xi32>
        %swap3A_130 = arith.constant 48 : index
        %swap3A_131 = tpu.vector_load %arg8[%swap3A_130] {strides = array<i32>} : memref<128xi32, #tpu.memory_space<vmem>>, vector<16xi32>,
        %swap3A_132 = vector.shape_cast %swap3A_131 : vector<16xi32> to vector<16xi32>
        %swap3A_133 = vector.shape_cast %select_n3A_129 : vector<16xi32> to vector<16xi32>
        tpu.vector_store %arg8[%swap3A_130], %swap3A_133 {strides = array<i32>} : memref<128xi32, #tpu.memory_space<vmem>>, vector<16xi32>,
        %get3A_134 = arith.constant 64 : index
        %get3A_135 = tpu.vector_load %arg7[%get3A_134] {strides = array<i32>} : memref<128xi32, #tpu.memory_space<vmem>>, vector<16xi32>,
        %get3A_136 = vector.shape_cast %get3A_135 : vector<16xi32> to vector<16xi32>
        %sub3A_137 = vector.broadcast %mul3A_19 : i32 to vector<16xi32>
        %sub3A_138 = arith.subi %get3A_136, %sub3A_137 : vector<16xi32>
        %ge3A_139 = arith.constant 0 : i32
        %ge3A_140 = vector.broadcast %ge3A_139 : i32 to vector<16xi32>
        %ge3A_141 = arith.cmpi sge, %sub3A_138, %ge3A_140 : vector<16xi32>
        %lt3A_142 = arith.constant 5000 : i32
        %lt3A_143 = vector.broadcast %lt3A_142 : i32 to vector<16xi32>
        %lt3A_144 = arith.cmpi slt, %sub3A_138, %lt3A_143 : vector<16xi32>
        %and3A_145 = arith.andi %ge3A_141, %lt3A_144 : vector<16xi1>
        %jit3A_146 = arith.constant 5000 : i32
        %broadcast_in_dim3A_147 = vector.broadcast %jit3A_146 : i32 to vector<16xi32>
        %select_n3A_148 = arith.select %and3A_145, %sub3A_138, %broadcast_in_dim3A_147 : vector<16xi1>, vector<16xi32>
        %swap3A_149 = arith.constant 64 : index
        %swap3A_150 = tpu.vector_load %arg8[%swap3A_149] {strides = array<i32>} : memref<128xi32, #tpu.memory_space<vmem>>, vector<16xi32>,
        %swap3A_151 = vector.shape_cast %swap3A_150 : vector<16xi32> to vector<16xi32>
        %swap3A_152 = vector.shape_cast %select_n3A_148 : vector<16xi32> to vector<16xi32>
        tpu.vector_store %arg8[%swap3A_149], %swap3A_152 {strides = array<i32>} : memref<128xi32, #tpu.memory_space<vmem>>, vector<16xi32>,
        %get3A_153 = arith.constant 80 : index
        %get3A_154 = tpu.vector_load %arg7[%get3A_153] {strides = array<i32>} : memref<128xi32, #tpu.memory_space<vmem>>, vector<16xi32>,
        %get3A_155 = vector.shape_cast %get3A_154 : vector<16xi32> to vector<16xi32>
        %sub3A_156 = vector.broadcast %mul3A_19 : i32 to vector<16xi32>
        %sub3A_157 = arith.subi %get3A_155, %sub3A_156 : vector<16xi32>
        %ge3A_158 = arith.constant 0 : i32
        %ge3A_159 = vector.broadcast %ge3A_158 : i32 to vector<16xi32>
        %ge3A_160 = arith.cmpi sge, %sub3A_157, %ge3A_159 : vector<16xi32>
        %lt3A_161 = arith.constant 5000 : i32
        %lt3A_162 = vector.broadcast %lt3A_161 : i32 to vector<16xi32>
        %lt3A_163 = arith.cmpi slt, %sub3A_157, %lt3A_162 : vector<16xi32>
        %and3A_164 = arith.andi %ge3A_160, %lt3A_163 : vector<16xi1>
        %jit3A_165 = arith.constant 5000 : i32
        %broadcast_in_dim3A_166 = vector.broadcast %jit3A_165 : i32 to vector<16xi32>
        %select_n3A_167 = arith.select %and3A_164, %sub3A_157, %broadcast_in_dim3A_166 : vector<16xi1>, vector<16xi32>
        %swap3A_168 = arith.constant 80 : index
        %swap3A_169 = tpu.vector_load %arg8[%swap3A_168] {strides = array<i32>} : memref<128xi32, #tpu.memory_space<vmem>>, vector<16xi32>,
        %swap3A_170 = vector.shape_cast %swap3A_169 : vector<16xi32> to vector<16xi32>
        %swap3A_171 = vector.shape_cast %select_n3A_167 : vector<16xi32> to vector<16xi32>
        tpu.vector_store %arg8[%swap3A_168], %swap3A_171 {strides = array<i32>} : memref<128xi32, #tpu.memory_space<vmem>>, vector<16xi32>,
        %get3A_172 = arith.constant 96 : index
        %get3A_173 = tpu.vector_load %arg7[%get3A_172] {strides = array<i32>} : memref<128xi32, #tpu.memory_space<vmem>>, vector<16xi32>,
        %get3A_174 = vector.shape_cast %get3A_173 : vector<16xi32> to vector<16xi32>
        %sub3A_175 = vector.broadcast %mul3A_19 : i32 to vector<16xi32>
        %sub3A_176 = arith.subi %get3A_174, %sub3A_175 : vector<16xi32>
        %ge3A_177 = arith.constant 0 : i32
        %ge3A_178 = vector.broadcast %ge3A_177 : i32 to vector<16xi32>
        %ge3A_179 = arith.cmpi sge, %sub3A_176, %ge3A_178 : vector<16xi32>
        %lt3A_180 = arith.constant 5000 : i32
        %lt3A_181 = vector.broadcast %lt3A_180 : i32 to vector<16xi32>
        %lt3A_182 = arith.cmpi slt, %sub3A_176, %lt3A_181 : vector<16xi32>
        %and3A_183 = arith.andi %ge3A_179, %lt3A_182 : vector<16xi1>
        %jit3A_184 = arith.constant 5000 : i32
        %broadcast_in_dim3A_185 = vector.broadcast %jit3A_184 : i32 to vector<16xi32>
        %select_n3A_186 = arith.select %and3A_183, %sub3A_176, %broadcast_in_dim3A_185 : vector<16xi1>, vector<16xi32>
        %swap3A_187 = arith.constant 96 : index
        %swap3A_188 = tpu.vector_load %arg8[%swap3A_187] {strides = array<i32>} : memref<128xi32, #tpu.memory_space<vmem>>, vector<16xi32>,
        %swap3A_189 = vector.shape_cast %swap3A_188 : vector<16xi32> to vector<16xi32>
        %swap3A_190 = vector.shape_cast %select_n3A_186 : vector<16xi32> to vector<16xi32>
        tpu.vector_store %arg8[%swap3A_187], %swap3A_190 {strides = array<i32>} : memref<128xi32, #tpu.memory_space<vmem>>, vector<16xi32>,
        %get3A_191 = arith.constant 112 : index
        %get3A_192 = tpu.vector_load %arg7[%get3A_191] {strides = array<i32>} : memref<128xi32, #tpu.memory_space<vmem>>, vector<16xi32>,
        %get3A_193 = vector.shape_cast %get3A_192 : vector<16xi32> to vector<16xi32>
        %sub3A_194 = vector.broadcast %mul3A_19 : i32 to vector<16xi32>
        %sub3A_195 = arith.subi %get3A_193, %sub3A_194 : vector<16xi32>
        %ge3A_196 = arith.constant 0 : i32
        %ge3A_197 = vector.broadcast %ge3A_196 : i32 to vector<16xi32>
        %ge3A_198 = arith.cmpi sge, %sub3A_195, %ge3A_197 : vector<16xi32>
        %lt3A_199 = arith.constant 5000 : i32
        %lt3A_200 = vector.broadcast %lt3A_199 : i32 to vector<16xi32>
        %lt3A_201 = arith.cmpi slt, %sub3A_195, %lt3A_200 : vector<16xi32>
        %and3A_202 = arith.andi %ge3A_198, %lt3A_201 : vector<16xi1>
        %jit3A_203 = arith.constant 5000 : i32
        %broadcast_in_dim3A_204 = vector.broadcast %jit3A_203 : i32 to vector<16xi32>
        %select_n3A_205 = arith.select %and3A_202, %sub3A_195, %broadcast_in_dim3A_204 : vector<16xi1>, vector<16xi32>
        %swap3A_206 = arith.constant 112 : index
        %swap3A_207 = tpu.vector_load %arg8[%swap3A_206] {strides = array<i32>} : memref<128xi32, #tpu.memory_space<vmem>>, vector<16xi32>,
        %swap3A_208 = vector.shape_cast %swap3A_207 : vector<16xi32> to vector<16xi32>
        %swap3A_209 = vector.shape_cast %select_n3A_205 : vector<16xi32> to vector<16xi32>
        tpu.vector_store %arg8[%swap3A_206], %swap3A_209 {strides = array<i32>} : memref<128xi32, #tpu.memory_space<vmem>>, vector<16xi32>,
        "tpu.region"() ({
          %run_scoped3A = tpu.sem_alloc : memref<!tpu.dma_semaphore, #tpu.memory_space<semaphore_mem>>
          %dma_start3A = arith.constant 0 : i32
          %dma_start3A_210 = arith.constant 0 : i32
          %dma_start3A_211 = tpu.memref_slice %arg11[%dma_start3A, %dma_start3A_210] : memref<5008x128xf32, #tpu.memory_space<vmem_shared>> -> memref<5008x128xf32, #tpu.memory_space<vmem_shared>>
          tpu.enqueue_indirect_dma source(%arg9 : memref<128x128xf32, #tpu.memory_space<vmem>>) target(%dma_start3A_211 : memref<5008x128xf32, #tpu.memory_space<vmem_shared>>) offsets(%arg8 : memref<128xi32, #tpu.memory_space<vmem>>) semaphore(%run_scoped3A : memref<!tpu.dma_semaphore, #tpu.memory_space<semaphore_mem>>) {add = true}
          %dma_wait3A = arith.constant 0 : i32
          %dma_wait3A_212 = arith.constant 0 : i32
          %dma_wait3A_213 = tpu.memref_slice %arg11[%dma_wait3A, %dma_wait3A_212] : memref<5008x128xf32, #tpu.memory_space<vmem_shared>> -> memref<5008x128xf32, #tpu.memory_space<vmem_shared>>
          tpu.wait_indirect_dma semaphore(%run_scoped3A : memref<!tpu.dma_semaphore, #tpu.memory_space<semaphore_mem>>) src(%arg9 : memref<128x128xf32, #tpu.memory_space<vmem>>) dst(%dma_wait3A_213 : memref<5008x128xf32, #tpu.memory_space<vmem_shared>>)
          tpu.yield
        }) : () -> ()
        "tpu.region"() ({
          %run_scoped3A = tpu.sem_alloc : memref<!tpu.dma_semaphore, #tpu.memory_space<semaphore_mem>>
          %dma_start3A = arith.constant 0 : i32
          %dma_start3A_210 = arith.constant 0 : i32
          %dma_start3A_211 = tpu.memref_slice %arg10[%dma_start3A, %dma_start3A_210] : memref<144x16xf32, #tpu.memory_space<vmem>> -> memref<128x16xf32, #tpu.memory_space<vmem>>
          %dma_start3A_212 = arith.constant 0 : i32
          %dma_start3A_213 = arith.constant 0 : i32
          %dma_start3A_214 = tpu.memref_slice %arg12[%dma_start3A_212, %dma_start3A_213] : memref<5008x16xf32, #tpu.memory_space<vmem_shared>> -> memref<5008x16xf32, #tpu.memory_space<vmem_shared>>
          tpu.enqueue_indirect_dma source(%dma_start3A_211 : memref<128x16xf32, #tpu.memory_space<vmem>>) target(%dma_start3A_214 : memref<5008x16xf32, #tpu.memory_space<vmem_shared>>) offsets(%arg8 : memref<128xi32, #tpu.memory_space<vmem>>) semaphore(%run_scoped3A : memref<!tpu.dma_semaphore, #tpu.memory_space<semaphore_mem>>) {add = true}
          %dma_wait3A = arith.constant 0 : i32
          %dma_wait3A_215 = arith.constant 0 : i32
          %dma_wait3A_216 = tpu.memref_slice %arg10[%dma_wait3A, %dma_wait3A_215] : memref<144x16xf32, #tpu.memory_space<vmem>> -> memref<128x16xf32, #tpu.memory_space<vmem>>
          %dma_wait3A_217 = arith.constant 0 : i32
          %dma_wait3A_218 = arith.constant 0 : i32
          %dma_wait3A_219 = tpu.memref_slice %arg12[%dma_wait3A_217, %dma_wait3A_218] : memref<5008x16xf32, #tpu.memory_space<vmem_shared>> -> memref<5008x16xf32, #tpu.memory_space<vmem_shared>>
          tpu.wait_indirect_dma semaphore(%run_scoped3A : memref<!tpu.dma_semaphore, #tpu.memory_space<semaphore_mem>>) src(%dma_wait3A_216 : memref<128x16xf32, #tpu.memory_space<vmem>>) dst(%dma_wait3A_219 : memref<5008x16xf32, #tpu.memory_space<vmem_shared>>)
          tpu.yield
        }) : () -> ()
      } else {
      }
    }
    %while3A_33 = arith.constant 1 : i32
    scf.for %while3A_41 = %while3A_31 to %while3A_27 step %while3A_33  : i32 {
      %mul3A_42 = arith.constant 16 : i32
      %mul3A_43 = arith.muli %while3A_41, %mul3A_42 : i32
      %add3A_44 = arith.addi %mul3A_43, %arg1 : i32
      %mul3A_45 = arith.constant 128 : i32
      %mul3A_46 = arith.muli %add3A_44, %mul3A_45 : i32
      "tpu.region"() ({
        %run_scoped3A = tpu.sem_alloc : memref<!tpu.dma_semaphore, #tpu.memory_space<semaphore_mem>>
        %dma_start3A = tpu.memref_slice %arg3[%mul3A_46] : memref<320000xi32, #tpu.memory_space<hbm>> -> memref<128xi32, #tpu.memory_space<hbm>>
        %dma_start3A_60 = tpu.memref_slice %arg3[%mul3A_46] : memref<320000xi32, #tpu.memory_space<hbm>> -> memref<128xi32, #tpu.memory_space<hbm>>
        tpu.enqueue_dma source(%dma_start3A_60 : memref<128xi32, #tpu.memory_space<hbm>>) target(%arg7 : memref<128xi32, #tpu.memory_space<vmem>>) target_semaphore(%run_scoped3A : memref<!tpu.dma_semaphore, #tpu.memory_space<semaphore_mem>>)
        %dma_wait3A = tpu.memref_slice %arg3[%mul3A_46] : memref<320000xi32, #tpu.memory_space<hbm>> -> memref<128xi32, #tpu.memory_space<hbm>>
        %dma_wait3A_61 = tpu.memref_slice %arg3[%mul3A_46] : memref<320000xi32, #tpu.memory_space<hbm>> -> memref<128xi32, #tpu.memory_space<hbm>>
        tpu.wait_dma2 semaphore(%run_scoped3A : memref<!tpu.dma_semaphore, #tpu.memory_space<semaphore_mem>>) src(%dma_wait3A_61 : memref<128xi32, #tpu.memory_space<hbm>>) dst(%arg7 : memref<128xi32, #tpu.memory_space<vmem>>)
        tpu.yield
      }) : () -> ()
      %get3A = arith.constant 0 : index
      %get3A_47 = tpu.vector_load %arg7[%get3A] {strides = array<i32>} : memref<128xi32, #tpu.memory_space<vmem>>, vector<16xi32>,
      %get3A_48 = vector.shape_cast %get3A_47 : vector<16xi32> to vector<16xi32>
      %slice3A = vector.extract_strided_slice %get3A_48 {offsets = [0], sizes = [1], strides = [1]} : vector<16xi32> to vector<1xi32>
      %squeeze3A = vector.extract %slice3A[0] : i32 from vector<1xi32>
      %get3A_49 = arith.constant 112 : index
      %get3A_50 = tpu.vector_load %arg7[%get3A_49] {strides = array<i32>} : memref<128xi32, #tpu.memory_space<vmem>>, vector<16xi32>,
      %get3A_51 = vector.shape_cast %get3A_50 : vector<16xi32> to vector<16xi32>
      %slice3A_52 = vector.extract_strided_slice %get3A_51 {offsets = [15], sizes = [1], strides = [1]} : vector<16xi32> to vector<1xi32>
      %squeeze3A_53 = vector.extract %slice3A_52[0] : i32 from vector<1xi32>
      %ge3A = arith.cmpi sge, %squeeze3A_53, %mul3A_19 : i32
      %add3A_54 = arith.constant 5000 : i32
      %add3A_55 = arith.addi %mul3A_19, %add3A_54 : i32
      %lt3A_56 = arith.cmpi slt, %squeeze3A, %add3A_55 : i32
      %and3A = arith.andi %ge3A, %lt3A_56 : i1
      %convert_element_type3A_57 = arith.extui %and3A : i1 to i32
      %cond3A_58 = arith.constant 0 : i32
      %cond3A_59 = arith.cmpi ne, %convert_element_type3A_57, %cond3A_58 : i32
      scf.if %cond3A_59 {
        "tpu.region"() ({
          %run_scoped3A = tpu.sem_alloc : memref<!tpu.dma_semaphore, #tpu.memory_space<semaphore_mem>>
          %dma_start3A = arith.constant 0 : i32
          %dma_start3A_210 = tpu.memref_slice %arg2[%mul3A_46, %dma_start3A] : memref<320000x128xf32, #tpu.memory_space<hbm>> -> memref<128x128xf32, #tpu.memory_space<hbm>>
          %dma_start3A_211 = arith.constant 0 : i32
          %dma_start3A_212 = tpu.memref_slice %arg2[%mul3A_46, %dma_start3A_211] : memref<320000x128xf32, #tpu.memory_space<hbm>> -> memref<128x128xf32, #tpu.memory_space<hbm>>
          tpu.enqueue_dma source(%dma_start3A_212 : memref<128x128xf32, #tpu.memory_space<hbm>>) target(%arg9 : memref<128x128xf32, #tpu.memory_space<vmem>>) target_semaphore(%run_scoped3A : memref<!tpu.dma_semaphore, #tpu.memory_space<semaphore_mem>>)
          %dma_wait3A = arith.constant 0 : i32
          %dma_wait3A_213 = tpu.memref_slice %arg2[%mul3A_46, %dma_wait3A] : memref<320000x128xf32, #tpu.memory_space<hbm>> -> memref<128x128xf32, #tpu.memory_space<hbm>>
          %dma_wait3A_214 = arith.constant 0 : i32
          %dma_wait3A_215 = tpu.memref_slice %arg2[%mul3A_46, %dma_wait3A_214] : memref<320000x128xf32, #tpu.memory_space<hbm>> -> memref<128x128xf32, #tpu.memory_space<hbm>>
          tpu.wait_dma2 semaphore(%run_scoped3A : memref<!tpu.dma_semaphore, #tpu.memory_space<semaphore_mem>>) src(%dma_wait3A_215 : memref<128x128xf32, #tpu.memory_space<hbm>>) dst(%arg9 : memref<128x128xf32, #tpu.memory_space<vmem>>)
          tpu.yield
        }) : () -> ()
        %get3A_60 = arith.constant 0 : index
        %get3A_61 = tpu.vector_load %arg7[%get3A_60] {strides = array<i32>} : memref<128xi32, #tpu.memory_space<vmem>>, vector<16xi32>,
        %get3A_62 = vector.shape_cast %get3A_61 : vector<16xi32> to vector<16xi32>
        %sub3A = vector.broadcast %mul3A_19 : i32 to vector<16xi32>
        %sub3A_63 = arith.subi %get3A_62, %sub3A : vector<16xi32>
        %ge3A_64 = arith.constant 0 : i32
        %ge3A_65 = vector.broadcast %ge3A_64 : i32 to vector<16xi32>
        %ge3A_66 = arith.cmpi sge, %sub3A_63, %ge3A_65 : vector<16xi32>
        %lt3A_67 = arith.constant 5000 : i32
        %lt3A_68 = vector.broadcast %lt3A_67 : i32 to vector<16xi32>
        %lt3A_69 = arith.cmpi slt, %sub3A_63, %lt3A_68 : vector<16xi32>
        %and3A_70 = arith.andi %ge3A_66, %lt3A_69 : vector<16xi1>
        %jit3A_71 = arith.constant 5000 : i32
        %broadcast_in_dim3A_72 = vector.broadcast %jit3A_71 : i32 to vector<16xi32>
        %select_n3A_73 = arith.select %and3A_70, %sub3A_63, %broadcast_in_dim3A_72 : vector<16xi1>, vector<16xi32>
        %swap3A = arith.constant 0 : index
        %swap3A_74 = tpu.vector_load %arg8[%swap3A] {strides = array<i32>} : memref<128xi32, #tpu.memory_space<vmem>>, vector<16xi32>,
        %swap3A_75 = vector.shape_cast %swap3A_74 : vector<16xi32> to vector<16xi32>
        %swap3A_76 = vector.shape_cast %select_n3A_73 : vector<16xi32> to vector<16xi32>
        tpu.vector_store %arg8[%swap3A], %swap3A_76 {strides = array<i32>} : memref<128xi32, #tpu.memory_space<vmem>>, vector<16xi32>,
        %get3A_77 = arith.constant 16 : index
        %get3A_78 = tpu.vector_load %arg7[%get3A_77] {strides = array<i32>} : memref<128xi32, #tpu.memory_space<vmem>>, vector<16xi32>,
        %get3A_79 = vector.shape_cast %get3A_78 : vector<16xi32> to vector<16xi32>
        %sub3A_80 = vector.broadcast %mul3A_19 : i32 to vector<16xi32>
        %sub3A_81 = arith.subi %get3A_79, %sub3A_80 : vector<16xi32>
        %ge3A_82 = arith.constant 0 : i32
        %ge3A_83 = vector.broadcast %ge3A_82 : i32 to vector<16xi32>
        %ge3A_84 = arith.cmpi sge, %sub3A_81, %ge3A_83 : vector<16xi32>
        %lt3A_85 = arith.constant 5000 : i32
        %lt3A_86 = vector.broadcast %lt3A_85 : i32 to vector<16xi32>
        %lt3A_87 = arith.cmpi slt, %sub3A_81, %lt3A_86 : vector<16xi32>
        %and3A_88 = arith.andi %ge3A_84, %lt3A_87 : vector<16xi1>
        %jit3A_89 = arith.constant 5000 : i32
        %broadcast_in_dim3A_90 = vector.broadcast %jit3A_89 : i32 to vector<16xi32>
        %select_n3A_91 = arith.select %and3A_88, %sub3A_81, %broadcast_in_dim3A_90 : vector<16xi1>, vector<16xi32>
        %swap3A_92 = arith.constant 16 : index
        %swap3A_93 = tpu.vector_load %arg8[%swap3A_92] {strides = array<i32>} : memref<128xi32, #tpu.memory_space<vmem>>, vector<16xi32>,
        %swap3A_94 = vector.shape_cast %swap3A_93 : vector<16xi32> to vector<16xi32>
        %swap3A_95 = vector.shape_cast %select_n3A_91 : vector<16xi32> to vector<16xi32>
        tpu.vector_store %arg8[%swap3A_92], %swap3A_95 {strides = array<i32>} : memref<128xi32, #tpu.memory_space<vmem>>, vector<16xi32>,
        %get3A_96 = arith.constant 32 : index
        %get3A_97 = tpu.vector_load %arg7[%get3A_96] {strides = array<i32>} : memref<128xi32, #tpu.memory_space<vmem>>, vector<16xi32>,
        %get3A_98 = vector.shape_cast %get3A_97 : vector<16xi32> to vector<16xi32>
        %sub3A_99 = vector.broadcast %mul3A_19 : i32 to vector<16xi32>
        %sub3A_100 = arith.subi %get3A_98, %sub3A_99 : vector<16xi32>
        %ge3A_101 = arith.constant 0 : i32
        %ge3A_102 = vector.broadcast %ge3A_101 : i32 to vector<16xi32>
        %ge3A_103 = arith.cmpi sge, %sub3A_100, %ge3A_102 : vector<16xi32>
        %lt3A_104 = arith.constant 5000 : i32
        %lt3A_105 = vector.broadcast %lt3A_104 : i32 to vector<16xi32>
        %lt3A_106 = arith.cmpi slt, %sub3A_100, %lt3A_105 : vector<16xi32>
        %and3A_107 = arith.andi %ge3A_103, %lt3A_106 : vector<16xi1>
        %jit3A_108 = arith.constant 5000 : i32
        %broadcast_in_dim3A_109 = vector.broadcast %jit3A_108 : i32 to vector<16xi32>
        %select_n3A_110 = arith.select %and3A_107, %sub3A_100, %broadcast_in_dim3A_109 : vector<16xi1>, vector<16xi32>
        %swap3A_111 = arith.constant 32 : index
        %swap3A_112 = tpu.vector_load %arg8[%swap3A_111] {strides = array<i32>} : memref<128xi32, #tpu.memory_space<vmem>>, vector<16xi32>,
        %swap3A_113 = vector.shape_cast %swap3A_112 : vector<16xi32> to vector<16xi32>
        %swap3A_114 = vector.shape_cast %select_n3A_110 : vector<16xi32> to vector<16xi32>
        tpu.vector_store %arg8[%swap3A_111], %swap3A_114 {strides = array<i32>} : memref<128xi32, #tpu.memory_space<vmem>>, vector<16xi32>,
        %get3A_115 = arith.constant 48 : index
        %get3A_116 = tpu.vector_load %arg7[%get3A_115] {strides = array<i32>} : memref<128xi32, #tpu.memory_space<vmem>>, vector<16xi32>,
        %get3A_117 = vector.shape_cast %get3A_116 : vector<16xi32> to vector<16xi32>
        %sub3A_118 = vector.broadcast %mul3A_19 : i32 to vector<16xi32>
        %sub3A_119 = arith.subi %get3A_117, %sub3A_118 : vector<16xi32>
        %ge3A_120 = arith.constant 0 : i32
        %ge3A_121 = vector.broadcast %ge3A_120 : i32 to vector<16xi32>
        %ge3A_122 = arith.cmpi sge, %sub3A_119, %ge3A_121 : vector<16xi32>
        %lt3A_123 = arith.constant 5000 : i32
        %lt3A_124 = vector.broadcast %lt3A_123 : i32 to vector<16xi32>
        %lt3A_125 = arith.cmpi slt, %sub3A_119, %lt3A_124 : vector<16xi32>
        %and3A_126 = arith.andi %ge3A_122, %lt3A_125 : vector<16xi1>
        %jit3A_127 = arith.constant 5000 : i32
        %broadcast_in_dim3A_128 = vector.broadcast %jit3A_127 : i32 to vector<16xi32>
        %select_n3A_129 = arith.select %and3A_126, %sub3A_119, %broadcast_in_dim3A_128 : vector<16xi1>, vector<16xi32>
        %swap3A_130 = arith.constant 48 : index
        %swap3A_131 = tpu.vector_load %arg8[%swap3A_130] {strides = array<i32>} : memref<128xi32, #tpu.memory_space<vmem>>, vector<16xi32>,
        %swap3A_132 = vector.shape_cast %swap3A_131 : vector<16xi32> to vector<16xi32>
        %swap3A_133 = vector.shape_cast %select_n3A_129 : vector<16xi32> to vector<16xi32>
        tpu.vector_store %arg8[%swap3A_130], %swap3A_133 {strides = array<i32>} : memref<128xi32, #tpu.memory_space<vmem>>, vector<16xi32>,
        %get3A_134 = arith.constant 64 : index
        %get3A_135 = tpu.vector_load %arg7[%get3A_134] {strides = array<i32>} : memref<128xi32, #tpu.memory_space<vmem>>, vector<16xi32>,
        %get3A_136 = vector.shape_cast %get3A_135 : vector<16xi32> to vector<16xi32>
        %sub3A_137 = vector.broadcast %mul3A_19 : i32 to vector<16xi32>
        %sub3A_138 = arith.subi %get3A_136, %sub3A_137 : vector<16xi32>
        %ge3A_139 = arith.constant 0 : i32
        %ge3A_140 = vector.broadcast %ge3A_139 : i32 to vector<16xi32>
        %ge3A_141 = arith.cmpi sge, %sub3A_138, %ge3A_140 : vector<16xi32>
        %lt3A_142 = arith.constant 5000 : i32
        %lt3A_143 = vector.broadcast %lt3A_142 : i32 to vector<16xi32>
        %lt3A_144 = arith.cmpi slt, %sub3A_138, %lt3A_143 : vector<16xi32>
        %and3A_145 = arith.andi %ge3A_141, %lt3A_144 : vector<16xi1>
        %jit3A_146 = arith.constant 5000 : i32
        %broadcast_in_dim3A_147 = vector.broadcast %jit3A_146 : i32 to vector<16xi32>
        %select_n3A_148 = arith.select %and3A_145, %sub3A_138, %broadcast_in_dim3A_147 : vector<16xi1>, vector<16xi32>
        %swap3A_149 = arith.constant 64 : index
        %swap3A_150 = tpu.vector_load %arg8[%swap3A_149] {strides = array<i32>} : memref<128xi32, #tpu.memory_space<vmem>>, vector<16xi32>,
        %swap3A_151 = vector.shape_cast %swap3A_150 : vector<16xi32> to vector<16xi32>
        %swap3A_152 = vector.shape_cast %select_n3A_148 : vector<16xi32> to vector<16xi32>
        tpu.vector_store %arg8[%swap3A_149], %swap3A_152 {strides = array<i32>} : memref<128xi32, #tpu.memory_space<vmem>>, vector<16xi32>,
        %get3A_153 = arith.constant 80 : index
        %get3A_154 = tpu.vector_load %arg7[%get3A_153] {strides = array<i32>} : memref<128xi32, #tpu.memory_space<vmem>>, vector<16xi32>,
        %get3A_155 = vector.shape_cast %get3A_154 : vector<16xi32> to vector<16xi32>
        %sub3A_156 = vector.broadcast %mul3A_19 : i32 to vector<16xi32>
        %sub3A_157 = arith.subi %get3A_155, %sub3A_156 : vector<16xi32>
        %ge3A_158 = arith.constant 0 : i32
        %ge3A_159 = vector.broadcast %ge3A_158 : i32 to vector<16xi32>
        %ge3A_160 = arith.cmpi sge, %sub3A_157, %ge3A_159 : vector<16xi32>
        %lt3A_161 = arith.constant 5000 : i32
        %lt3A_162 = vector.broadcast %lt3A_161 : i32 to vector<16xi32>
        %lt3A_163 = arith.cmpi slt, %sub3A_157, %lt3A_162 : vector<16xi32>
        %and3A_164 = arith.andi %ge3A_160, %lt3A_163 : vector<16xi1>
        %jit3A_165 = arith.constant 5000 : i32
        %broadcast_in_dim3A_166 = vector.broadcast %jit3A_165 : i32 to vector<16xi32>
        %select_n3A_167 = arith.select %and3A_164, %sub3A_157, %broadcast_in_dim3A_166 : vector<16xi1>, vector<16xi32>
        %swap3A_168 = arith.constant 80 : index
        %swap3A_169 = tpu.vector_load %arg8[%swap3A_168] {strides = array<i32>} : memref<128xi32, #tpu.memory_space<vmem>>, vector<16xi32>,
        %swap3A_170 = vector.shape_cast %swap3A_169 : vector<16xi32> to vector<16xi32>
        %swap3A_171 = vector.shape_cast %select_n3A_167 : vector<16xi32> to vector<16xi32>
        tpu.vector_store %arg8[%swap3A_168], %swap3A_171 {strides = array<i32>} : memref<128xi32, #tpu.memory_space<vmem>>, vector<16xi32>,
        %get3A_172 = arith.constant 96 : index
        %get3A_173 = tpu.vector_load %arg7[%get3A_172] {strides = array<i32>} : memref<128xi32, #tpu.memory_space<vmem>>, vector<16xi32>,
        %get3A_174 = vector.shape_cast %get3A_173 : vector<16xi32> to vector<16xi32>
        %sub3A_175 = vector.broadcast %mul3A_19 : i32 to vector<16xi32>
        %sub3A_176 = arith.subi %get3A_174, %sub3A_175 : vector<16xi32>
        %ge3A_177 = arith.constant 0 : i32
        %ge3A_178 = vector.broadcast %ge3A_177 : i32 to vector<16xi32>
        %ge3A_179 = arith.cmpi sge, %sub3A_176, %ge3A_178 : vector<16xi32>
        %lt3A_180 = arith.constant 5000 : i32
        %lt3A_181 = vector.broadcast %lt3A_180 : i32 to vector<16xi32>
        %lt3A_182 = arith.cmpi slt, %sub3A_176, %lt3A_181 : vector<16xi32>
        %and3A_183 = arith.andi %ge3A_179, %lt3A_182 : vector<16xi1>
        %jit3A_184 = arith.constant 5000 : i32
        %broadcast_in_dim3A_185 = vector.broadcast %jit3A_184 : i32 to vector<16xi32>
        %select_n3A_186 = arith.select %and3A_183, %sub3A_176, %broadcast_in_dim3A_185 : vector<16xi1>, vector<16xi32>
        %swap3A_187 = arith.constant 96 : index
        %swap3A_188 = tpu.vector_load %arg8[%swap3A_187] {strides = array<i32>} : memref<128xi32, #tpu.memory_space<vmem>>, vector<16xi32>,
        %swap3A_189 = vector.shape_cast %swap3A_188 : vector<16xi32> to vector<16xi32>
        %swap3A_190 = vector.shape_cast %select_n3A_186 : vector<16xi32> to vector<16xi32>
        tpu.vector_store %arg8[%swap3A_187], %swap3A_190 {strides = array<i32>} : memref<128xi32, #tpu.memory_space<vmem>>, vector<16xi32>,
        %get3A_191 = arith.constant 112 : index
        %get3A_192 = tpu.vector_load %arg7[%get3A_191] {strides = array<i32>} : memref<128xi32, #tpu.memory_space<vmem>>, vector<16xi32>,
        %get3A_193 = vector.shape_cast %get3A_192 : vector<16xi32> to vector<16xi32>
        %sub3A_194 = vector.broadcast %mul3A_19 : i32 to vector<16xi32>
        %sub3A_195 = arith.subi %get3A_193, %sub3A_194 : vector<16xi32>
        %ge3A_196 = arith.constant 0 : i32
        %ge3A_197 = vector.broadcast %ge3A_196 : i32 to vector<16xi32>
        %ge3A_198 = arith.cmpi sge, %sub3A_195, %ge3A_197 : vector<16xi32>
        %lt3A_199 = arith.constant 5000 : i32
        %lt3A_200 = vector.broadcast %lt3A_199 : i32 to vector<16xi32>
        %lt3A_201 = arith.cmpi slt, %sub3A_195, %lt3A_200 : vector<16xi32>
        %and3A_202 = arith.andi %ge3A_198, %lt3A_201 : vector<16xi1>
        %jit3A_203 = arith.constant 5000 : i32
        %broadcast_in_dim3A_204 = vector.broadcast %jit3A_203 : i32 to vector<16xi32>
        %select_n3A_205 = arith.select %and3A_202, %sub3A_195, %broadcast_in_dim3A_204 : vector<16xi1>, vector<16xi32>
        %swap3A_206 = arith.constant 112 : index
        %swap3A_207 = tpu.vector_load %arg8[%swap3A_206] {strides = array<i32>} : memref<128xi32, #tpu.memory_space<vmem>>, vector<16xi32>,
        %swap3A_208 = vector.shape_cast %swap3A_207 : vector<16xi32> to vector<16xi32>
        %swap3A_209 = vector.shape_cast %select_n3A_205 : vector<16xi32> to vector<16xi32>
        tpu.vector_store %arg8[%swap3A_206], %swap3A_209 {strides = array<i32>} : memref<128xi32, #tpu.memory_space<vmem>>, vector<16xi32>,
        "tpu.region"() ({
          %run_scoped3A = tpu.sem_alloc : memref<!tpu.dma_semaphore, #tpu.memory_space<semaphore_mem>>
          %dma_start3A = arith.constant 0 : i32
          %dma_start3A_210 = arith.constant 0 : i32
          %dma_start3A_211 = tpu.memref_slice %arg11[%dma_start3A, %dma_start3A_210] : memref<5008x128xf32, #tpu.memory_space<vmem_shared>> -> memref<5008x128xf32, #tpu.memory_space<vmem_shared>>
          tpu.enqueue_indirect_dma source(%arg9 : memref<128x128xf32, #tpu.memory_space<vmem>>) target(%dma_start3A_211 : memref<5008x128xf32, #tpu.memory_space<vmem_shared>>) offsets(%arg8 : memref<128xi32, #tpu.memory_space<vmem>>) semaphore(%run_scoped3A : memref<!tpu.dma_semaphore, #tpu.memory_space<semaphore_mem>>) {add = true}
          %dma_wait3A = arith.constant 0 : i32
          %dma_wait3A_212 = arith.constant 0 : i32
          %dma_wait3A_213 = tpu.memref_slice %arg11[%dma_wait3A, %dma_wait3A_212] : memref<5008x128xf32, #tpu.memory_space<vmem_shared>> -> memref<5008x128xf32, #tpu.memory_space<vmem_shared>>
          tpu.wait_indirect_dma semaphore(%run_scoped3A : memref<!tpu.dma_semaphore, #tpu.memory_space<semaphore_mem>>) src(%arg9 : memref<128x128xf32, #tpu.memory_space<vmem>>) dst(%dma_wait3A_213 : memref<5008x128xf32, #tpu.memory_space<vmem_shared>>)
          tpu.yield
        }) : () -> ()
        "tpu.region"() ({
          %run_scoped3A = tpu.sem_alloc : memref<!tpu.dma_semaphore, #tpu.memory_space<semaphore_mem>>
          %dma_start3A = arith.constant 0 : i32
          %dma_start3A_210 = arith.constant 0 : i32
          %dma_start3A_211 = tpu.memref_slice %arg10[%dma_start3A, %dma_start3A_210] : memref<144x16xf32, #tpu.memory_space<vmem>> -> memref<128x16xf32, #tpu.memory_space<vmem>>
          %dma_start3A_212 = arith.constant 0 : i32
          %dma_start3A_213 = arith.constant 0 : i32
          %dma_start3A_214 = tpu.memref_slice %arg12[%dma_start3A_212, %dma_start3A_213] : memref<5008x16xf32, #tpu.memory_space<vmem_shared>> -> memref<5008x16xf32, #tpu.memory_space<vmem_shared>>
          tpu.enqueue_indirect_dma source(%dma_start3A_211 : memref<128x16xf32, #tpu.memory_space<vmem>>) target(%dma_start3A_214 : memref<5008x16xf32, #tpu.memory_space<vmem_shared>>) offsets(%arg8 : memref<128xi32, #tpu.memory_space<vmem>>) semaphore(%run_scoped3A : memref<!tpu.dma_semaphore, #tpu.memory_space<semaphore_mem>>) {add = true}
          %dma_wait3A = arith.constant 0 : i32
          %dma_wait3A_215 = arith.constant 0 : i32
          %dma_wait3A_216 = tpu.memref_slice %arg10[%dma_wait3A, %dma_wait3A_215] : memref<144x16xf32, #tpu.memory_space<vmem>> -> memref<128x16xf32, #tpu.memory_space<vmem>>
          %dma_wait3A_217 = arith.constant 0 : i32
          %dma_wait3A_218 = arith.constant 0 : i32
          %dma_wait3A_219 = tpu.memref_slice %arg12[%dma_wait3A_217, %dma_wait3A_218] : memref<5008x16xf32, #tpu.memory_space<vmem_shared>> -> memref<5008x16xf32, #tpu.memory_space<vmem_shared>>
          tpu.wait_indirect_dma semaphore(%run_scoped3A : memref<!tpu.dma_semaphore, #tpu.memory_space<semaphore_mem>>) src(%dma_wait3A_216 : memref<128x16xf32, #tpu.memory_space<vmem>>) dst(%dma_wait3A_219 : memref<5008x16xf32, #tpu.memory_space<vmem_shared>>)
          tpu.yield
        }) : () -> ()
      } else {
      }
    }
    %barrier3A_34 = arith.constant 0 : index
    tpu.barrier barrier_id(%barrier3A_34)
    %mul3A_35 = arith.constant 312 : i32
    %mul3A_36 = arith.muli %arg1, %mul3A_35 : i32
    %add3A = arith.addi %mul3A_19, %mul3A_36 : i32
    "tpu.region"() ({
      %run_scoped3A = tpu.sem_alloc : memref<!tpu.dma_semaphore, #tpu.memory_space<semaphore_mem>>
      %dma_start3A = arith.constant 0 : i32
      %dma_start3A_41 = tpu.memref_slice %arg5[%add3A, %dma_start3A] : memref<10000x128xf32, #tpu.memory_space<hbm>> -> memref<312x128xf32, #tpu.memory_space<hbm>>
      %dma_start3A_42 = arith.constant 0 : i32
      %dma_start3A_43 = tpu.memref_slice %arg11[%mul3A_36, %dma_start3A_42] : memref<5008x128xf32, #tpu.memory_space<vmem_shared>> -> memref<312x128xf32, #tpu.memory_space<vmem_shared>>
      tpu.enqueue_dma source(%dma_start3A_43 : memref<312x128xf32, #tpu.memory_space<vmem_shared>>) target(%dma_start3A_41 : memref<312x128xf32, #tpu.memory_space<hbm>>) target_semaphore(%run_scoped3A : memref<!tpu.dma_semaphore, #tpu.memory_space<semaphore_mem>>)
      %dma_wait3A = arith.constant 0 : i32
      %dma_wait3A_44 = tpu.memref_slice %arg5[%add3A, %dma_wait3A] : memref<10000x128xf32, #tpu.memory_space<hbm>> -> memref<312x128xf32, #tpu.memory_space<hbm>>
      %dma_wait3A_45 = arith.constant 0 : i32
      %dma_wait3A_46 = tpu.memref_slice %arg11[%mul3A_36, %dma_wait3A_45] : memref<5008x128xf32, #tpu.memory_space<vmem_shared>> -> memref<312x128xf32, #tpu.memory_space<vmem_shared>>
      tpu.wait_dma2 semaphore(%run_scoped3A : memref<!tpu.dma_semaphore, #tpu.memory_space<semaphore_mem>>) src(%dma_wait3A_46 : memref<312x128xf32, #tpu.memory_space<vmem_shared>>) dst(%dma_wait3A_44 : memref<312x128xf32, #tpu.memory_space<hbm>>)
      tpu.yield
    }) : () -> ()
    %add3A_37 = arith.addi %mul3A_19, %mul3A_36 : i32
    "tpu.region"() ({
      %run_scoped3A = tpu.sem_alloc : memref<!tpu.dma_semaphore, #tpu.memory_space<semaphore_mem>>
      %dma_start3A = arith.constant 0 : i32
      %dma_start3A_41 = tpu.memref_slice %arg6[%add3A_37, %dma_start3A] : memref<10000x16xf32, #tpu.memory_space<hbm>> -> memref<312x16xf32, #tpu.memory_space<hbm>>
      %dma_start3A_42 = arith.constant 0 : i32
      %dma_start3A_43 = tpu.memref_slice %arg12[%mul3A_36, %dma_start3A_42] : memref<5008x16xf32, #tpu.memory_space<vmem_shared>> -> memref<312x16xf32, #tpu.memory_space<vmem_shared>>
      tpu.enqueue_dma source(%dma_start3A_43 : memref<312x16xf32, #tpu.memory_space<vmem_shared>>) target(%dma_start3A_41 : memref<312x16xf32, #tpu.memory_space<hbm>>) target_semaphore(%run_scoped3A : memref<!tpu.dma_semaphore, #tpu.memory_space<semaphore_mem>>)
      %dma_wait3A = arith.constant 0 : i32
      %dma_wait3A_44 = tpu.memref_slice %arg6[%add3A_37, %dma_wait3A] : memref<10000x16xf32, #tpu.memory_space<hbm>> -> memref<312x16xf32, #tpu.memory_space<hbm>>
      %dma_wait3A_45 = arith.constant 0 : i32
      %dma_wait3A_46 = tpu.memref_slice %arg12[%mul3A_36, %dma_wait3A_45] : memref<5008x16xf32, #tpu.memory_space<vmem_shared>> -> memref<312x16xf32, #tpu.memory_space<vmem_shared>>
      tpu.wait_dma2 semaphore(%run_scoped3A : memref<!tpu.dma_semaphore, #tpu.memory_space<semaphore_mem>>) src(%dma_wait3A_46 : memref<312x16xf32, #tpu.memory_space<vmem_shared>>) dst(%dma_wait3A_44 : memref<312x16xf32, #tpu.memory_space<hbm>>)
      tpu.yield
    }) : () -> ()
    %eq3A_38 = arith.constant 15 : i32
    %eq3A_39 = arith.cmpi eq, %arg1, %eq3A_38 : i32
    %convert_element_type3A = arith.extui %eq3A_39 : i1 to i32
    %cond3A = arith.constant 0 : i32
    %cond3A_40 = arith.cmpi ne, %convert_element_type3A, %cond3A : i32
    scf.if %cond3A_40 {
      %add3A_41 = arith.constant 4992 : i32
      %add3A_42 = arith.addi %mul3A_19, %add3A_41 : i32
      "tpu.region"() ({
        %run_scoped3A = tpu.sem_alloc : memref<!tpu.dma_semaphore, #tpu.memory_space<semaphore_mem>>
        %dma_start3A = arith.constant 0 : i32
        %dma_start3A_45 = tpu.memref_slice %arg5[%add3A_42, %dma_start3A] : memref<10000x128xf32, #tpu.memory_space<hbm>> -> memref<8x128xf32, #tpu.memory_space<hbm>>
        %dma_start3A_46 = arith.constant 4992 : i32
        %dma_start3A_47 = arith.constant 0 : i32
        %dma_start3A_48 = tpu.memref_slice %arg11[%dma_start3A_46, %dma_start3A_47] : memref<5008x128xf32, #tpu.memory_space<vmem_shared>> -> memref<8x128xf32, #tpu.memory_space<vmem_shared>>
        tpu.enqueue_dma source(%dma_start3A_48 : memref<8x128xf32, #tpu.memory_space<vmem_shared>>) target(%dma_start3A_45 : memref<8x128xf32, #tpu.memory_space<hbm>>) target_semaphore(%run_scoped3A : memref<!tpu.dma_semaphore, #tpu.memory_space<semaphore_mem>>)
        %dma_wait3A = arith.constant 0 : i32
        %dma_wait3A_49 = tpu.memref_slice %arg5[%add3A_42, %dma_wait3A] : memref<10000x128xf32, #tpu.memory_space<hbm>> -> memref<8x128xf32, #tpu.memory_space<hbm>>
        %dma_wait3A_50 = arith.constant 4992 : i32
        %dma_wait3A_51 = arith.constant 0 : i32
        %dma_wait3A_52 = tpu.memref_slice %arg11[%dma_wait3A_50, %dma_wait3A_51] : memref<5008x128xf32, #tpu.memory_space<vmem_shared>> -> memref<8x128xf32, #tpu.memory_space<vmem_shared>>
        tpu.wait_dma2 semaphore(%run_scoped3A : memref<!tpu.dma_semaphore, #tpu.memory_space<semaphore_mem>>) src(%dma_wait3A_52 : memref<8x128xf32, #tpu.memory_space<vmem_shared>>) dst(%dma_wait3A_49 : memref<8x128xf32, #tpu.memory_space<hbm>>)
        tpu.yield
      }) : () -> ()
      %add3A_43 = arith.constant 4992 : i32
      %add3A_44 = arith.addi %mul3A_19, %add3A_43 : i32
      "tpu.region"() ({
        %run_scoped3A = tpu.sem_alloc : memref<!tpu.dma_semaphore, #tpu.memory_space<semaphore_mem>>
        %dma_start3A = arith.constant 0 : i32
        %dma_start3A_45 = tpu.memref_slice %arg6[%add3A_44, %dma_start3A] : memref<10000x16xf32, #tpu.memory_space<hbm>> -> memref<8x16xf32, #tpu.memory_space<hbm>>
        %dma_start3A_46 = arith.constant 4992 : i32
        %dma_start3A_47 = arith.constant 0 : i32
        %dma_start3A_48 = tpu.memref_slice %arg12[%dma_start3A_46, %dma_start3A_47] : memref<5008x16xf32, #tpu.memory_space<vmem_shared>> -> memref<8x16xf32, #tpu.memory_space<vmem_shared>>
        tpu.enqueue_dma source(%dma_start3A_48 : memref<8x16xf32, #tpu.memory_space<vmem_shared>>) target(%dma_start3A_45 : memref<8x16xf32, #tpu.memory_space<hbm>>) target_semaphore(%run_scoped3A : memref<!tpu.dma_semaphore, #tpu.memory_space<semaphore_mem>>)
        %dma_wait3A = arith.constant 0 : i32
        %dma_wait3A_49 = tpu.memref_slice %arg6[%add3A_44, %dma_wait3A] : memref<10000x16xf32, #tpu.memory_space<hbm>> -> memref<8x16xf32, #tpu.memory_space<hbm>>
        %dma_wait3A_50 = arith.constant 4992 : i32
        %dma_wait3A_51 = arith.constant 0 : i32
        %dma_wait3A_52 = tpu.memref_slice %arg12[%dma_wait3A_50, %dma_wait3A_51] : memref<5008x16xf32, #tpu.memory_space<vmem_shared>> -> memref<8x16xf32, #tpu.memory_space<vmem_shared>>
        tpu.wait_dma2 semaphore(%run_scoped3A : memref<!tpu.dma_semaphore, #tpu.memory_space<semaphore_mem>>) src(%dma_wait3A_52 : memref<8x16xf32, #tpu.memory_space<vmem_shared>>) dst(%dma_wait3A_49 : memref<8x16xf32, #tpu.memory_space<hbm>>)
        tpu.yield
      }) : () -> ()
    } else {
    }
    return
  }
}

module attributes {stable_mosaic.version = 14 : i64} {
  func.func @_combine_body(%arg0: i32, %arg1: memref<1000x128xf32, #tpu.memory_space<vmem>>, %arg2: memref<1000x16xf32, #tpu.memory_space<vmem>>, %arg3: memref<1000x128xf32, #tpu.memory_space<vmem>>) attributes {dimension_semantics = [#tpu.dimension_semantics<arbitrary>], iteration_bounds = array<i64: 10>, scalar_prefetch = 0 : i64, scratch_operands = 0 : i64, tpu.core_type = #tpu.core_type<tc>, window_params = [{transform_indices = @transform_0, window_bounds = array<i64: 1000, 128>}, {transform_indices = @transform_1, window_bounds = array<i64: 1000, 16>}, {transform_indices = @transform_2, window_bounds = array<i64: 1000, 128>}]} {
    %get3A = arith.constant 0 : index
    %get3A_0 = arith.constant 0 : index
    %get3A_1 = vector.load %arg2[%get3A, %get3A_0] : memref<1000x16xf32, #tpu.memory_space<vmem>>, vector<1000x1xf32>
    %get3A_2 = arith.constant 0 : index
    %get3A_3 = arith.constant 0 : index
    %get3A_4 = vector.load %arg1[%get3A_2, %get3A_3] : memref<1000x128xf32, #tpu.memory_space<vmem>>, vector<1000x128xf32>
    %max3A = arith.constant 1.000000e+00 : f32
    %max3A_5 = vector.broadcast %max3A : f32 to vector<1000x1xf32>
    %max3A_6 = arith.maximumf %get3A_1, %max3A_5 : vector<1000x1xf32>
    %div3A = vector.broadcast %max3A_6 : vector<1000x1xf32> to vector<1000x128xf32>
    %div3A_7 = arith.divf %get3A_4, %div3A : vector<1000x128xf32>
    %swap3A = arith.constant 0 : index
    %swap3A_8 = arith.constant 0 : index
    %swap3A_9 = vector.load %arg3[%swap3A, %swap3A_8] : memref<1000x128xf32, #tpu.memory_space<vmem>>, vector<1000x128xf32>
    tpu.vector_store %arg3[%swap3A, %swap3A_8], %div3A_7 {strides = array<i32>} : memref<1000x128xf32, #tpu.memory_space<vmem>>, vector<1000x128xf32>,
    return
  }
  func.func @transform_0(%arg0: i32) -> (i32, i32) {
    %c0_i32 = arith.constant 0 : i32
    %c0_i32_0 = arith.constant 0 : i32
    return %arg0, %c0_i32 : i32, i32
  }
  func.func @transform_1(%arg0: i32) -> (i32, i32) {
    %c0_i32 = arith.constant 0 : i32
    %c0_i32_0 = arith.constant 0 : i32
    return %arg0, %c0_i32 : i32, i32
  }
  func.func @transform_2(%arg0: i32) -> (i32, i32) {
    %c0_i32 = arith.constant 0 : i32
    %c0_i32_0 = arith.constant 0 : i32
    return %arg0, %c0_i32 : i32, i32
  }
}

</mosaic_0001>

<sc_bundles>
// kernel: kernel.4.cloned.1.call-start
scs
__scs_entry_jumppad:
0x0: {  	(pc) =	sbr.rel $0x88, $3  }
0x1: {  	(tag) =	ssettag $0x0;
	lr =	simm.s32 $0x1  }
0x2: {  	[smem:$0x3F9F] =	sst lr;
	_ =	strace $0xD0000000  }
0x3: {  	_ = 	snop  }
0x4: {  	_ = 	snop  }
0x5: {  	_ = 	snop  }
0x6: {  	_ = 	snop  }
0x7: {  	_ = 	snop  }
__scs_overlays_trampoline_lowered:
0x8: {  	[smem:$0x3FAE] =	sst s0  }
0x9: {  	[smem:$0x3FAF] =	sst s1  }
0xa: {  	[smem:$0x3FB0] =	sst s2  }
0xb: {  	[smem:$0x3FB1] =	sst s3  }
0xc: {  	[smem:$0x3FB2] =	sst s4  }
0xd: {  	[smem:$0x3FB3] =	sst s5  }
0xe: {  	[smem:$0x3FB4] =	sst s6  }
0xf: {  	[smem:$0x3FB5] =	sst s7  }
0x10: {  	[smem:$0x3FB6] =	sst s8  }
0x11: {  	[smem:$0x3FB7] =	sst s9;
	s0 =	simm.s32 @!p0 $0x0  }
0x12: {  	s1 =	sld [smem:$0x3F9D];
	s0 =	simm.s32 @p0 $0x1  }
0x13: {  	[smem:$0x3FB8] =	sst s0;
	s0 =	simm.s32 @!p1 $0x0  }
0x14: {  	s2 =	sld [smem:$0x3F9C];
	s0 =	simm.s32 @p1 $0x1  }
0x15: {  	[smem:$0x3FB9] =	sst s0;
	s0 =	simm.s32 @!p2 $0x0  }
0x16: {  	s3 =	sld [smem:$0x3FDB];
	s0 =	simm.s32 @p2 $0x1  }
0x17: {  	s4 =	simm.s32 $0x1BF5;
	[smem:$0x3FBB] =	sst s0  }
0x18: {  	s0 =	sld [smem:$0x3F9E];
	_ =	swait.ge [sflag:s4], $0x0  }
0x19: {  	s7 =	sld [smem:$0x3F9F]  }
0x1a: {  	s8 =	sadd.s32 $0xFFFFE003, lr  }
0x1b: {  	s9 =	sadd.s32 $0xFFFFFEF7, lr;
	s5 =	simm.s32 $0xFFFFFFFF;
	p2 =	slt.u32 s8, $0xFFFFF086  }
0x1c: {  	p1 =	slt.u32 s9, $0xF7A;
	s5 =	simm.s32 @!p2 $0x0  }
0x1d: {  	s5 =	simm.s32 @p1 $0x1;
	p0 =	seq.s32 s7, s2  }
0x1e: {  	s7 =	smul.u32 @!p0 $0xF7A, s2;
	p2 =	seq.s32 @!p0 s5, $0x0  }
0x1f: {  	s9 =	smul.u32 $0xF7A, s1;
	s8 =	simm.s32 @!p0 $0x1BF5;
	p2 =	por !p2, p0  }
0x20: {  	[sflag:s8] =	ssyncset.s32 @!p0 $0xFFFFF086;
	s6 =	sadd.s32 @!p0 s3, s7;
	s7 =	simm.s32 @!p0 $0x108  }
0x21: {  	s3 =	sadd.s32 s3, s9;
	s6 =	sadd.s32 @!p0 $0x88, s6;
	s7 =	simm.s32 @p2 $0x1082  }
0x22: {  	[simem:s7], [sflag:s8] =	dma.local @!p0 [hbm:s6], $0xF7A  }
0x23: {  	s9 =	sor.u32 $0xD0000000, s2;
	s6 =	simm.s32 $0x108;
	_ =	swait.ge @!p0 [sflag:s8], $0x0  }
0x24: {  	s3 =	sadd.s32 $0x88, s3;
	s6 =	simm.s32 @!p1 $0x1082;
	[sflag:s4] =	ssyncset.s32 $0xFFFFF086  }
0x25: {  	[simem:s6], [sflag:s4] =	dma.local [hbm:s3], $0xF7A  }
0x26: {  	[smem:$0x3F9F] =	sst s1;
	(tag) =	ssettag s2;
	_ =	strace s9  }
0x27: {  	s1 =	sld [smem:$0x3FAF]  }
0x28: {  	s2 =	sld [smem:$0x3FB0]  }
0x29: {  	s4 =	sld [smem:$0x3FB2]  }
0x2a: {  	p0 =	seq.s32 s5, $0x0;
	s5 =	sld [smem:$0x3FB3]  }
0x2b: {  	s6 =	sld [smem:$0x3FB4]  }
0x2c: {  	s7 =	sld [smem:$0x3FB5]  }
0x2d: {  	s3 =	simm.s32 $0x108;
	s8 =	sld [smem:$0x3FB6]  }
0x2e: {  	s3 =	simm.s32 @!p0 $0x1082;
	s9 =	sld [smem:$0x3FB7]  }
0x2f: {  	lr =	sadd.s32 s0, s3;
	s0 =	sld [smem:$0x3FAE]  }
0x30: {  	s3 =	sld [smem:$0x3FB1]  }
0x31: {  	[smem:$0x3FBA] =	sst s10  }
0x32: {  	s10 =	sld [smem:$0x3FB8];
	_ =	sdelay $0x3  }
0x33: {  	p0 =	seq.s32 s10, $0x1;
	s10 =	sld [smem:$0x3FBA];
	_ =	sdelay $0x3  }
0x34: {  	[smem:$0x3FBA] =	sst s10  }
0x35: {  	s10 =	sld [smem:$0x3FB9];
	_ =	sdelay $0x3  }
0x36: {  	p1 =	seq.s32 s10, $0x1;
	s10 =	sld [smem:$0x3FBA];
	_ =	sdelay $0x3  }
0x37: {  	[smem:$0x3FBA] =	sst s10  }
0x38: {  	s10 =	sld [smem:$0x3FBB]  }
0x39: {  	_ = 	snop;
	(pc) =	sbr.ind lr, $3  }
0x3a: {  	_ = 	snop  }
0x3b: {  	_ = 	snop  }
0x3c: {  	p2 =	seq.s32 s10, $0x1;
	s10 =	sld [smem:$0x3FBA]  }
0x3d: {  	_ =	shalt  }
0x3e: {  	_ =	shalt  }
0x3f: {  	_ =	shalt  }
0x40: {  	_ =	shalt  }
0x41: {  	_ =	shalt  }
0x42: {  	_ =	shalt  }
0x43: {  	_ =	shalt  }
0x44: {  	_ =	shalt  }
0x45: {  	_ =	shalt  }
0x46: {  	_ =	shalt  }
0x47: {  	_ =	shalt  }
0x48: {  	_ =	shalt  }
0x49: {  	_ =	shalt  }
0x4a: {  	_ =	shalt  }
0x4b: {  	_ =	shalt  }
0x4c: {  	_ =	shalt  }
0x4d: {  	_ =	shalt  }
0x4e: {  	_ =	shalt  }
0x4f: {  	_ =	shalt  }
0x50: {  	_ =	shalt  }
0x51: {  	_ =	shalt  }
0x52: {  	_ =	shalt  }
0x53: {  	_ =	shalt  }
0x54: {  	_ =	shalt  }
0x55: {  	_ =	shalt  }
0x56: {  	_ =	shalt  }
0x57: {  	_ =	shalt  }
0x58: {  	_ =	shalt  }
0x59: {  	_ =	shalt  }
0x5a: {  	_ =	shalt  }
0x5b: {  	_ =	shalt  }
0x5c: {  	_ =	shalt  }
0x5d: {  	_ =	shalt  }
0x5e: {  	_ =	shalt  }
0x5f: {  	_ =	shalt  }
0x60: {  	_ =	shalt  }
0x61: {  	_ =	shalt  }
0x62: {  	_ =	shalt  }
0x63: {  	_ =	shalt  }
0x64: {  	_ =	shalt  }
0x65: {  	_ =	shalt  }
0x66: {  	_ =	shalt  }
0x67: {  	_ =	shalt  }
0x68: {  	_ =	shalt  }
0x69: {  	_ =	shalt  }
0x6a: {  	_ =	shalt  }
0x6b: {  	_ =	shalt  }
0x6c: {  	_ =	shalt  }
0x6d: {  	_ =	shalt  }
0x6e: {  	_ =	shalt  }
0x6f: {  	_ =	shalt  }
0x70: {  	_ =	shalt  }
0x71: {  	_ =	shalt  }
0x72: {  	_ =	shalt  }
0x73: {  	_ =	shalt  }
0x74: {  	_ =	shalt  }
0x75: {  	_ =	shalt  }
0x76: {  	_ =	shalt  }
0x77: {  	_ =	shalt  }
0x78: {  	_ =	shalt  }
0x79: {  	_ =	shalt  }
0x7a: {  	_ =	shalt  }
0x7b: {  	_ =	shalt  }
0x7c: {  	_ =	shalt  }
0x7d: {  	_ =	shalt  }
0x7e: {  	_ =	shalt  }
0x7f: {  	_ =	shalt  }
0x80: {  	_ =	shalt  }
0x81: {  	_ =	shalt  }
0x82: {  	_ =	shalt  }
0x83: {  	_ =	shalt  }
0x84: {  	_ =	shalt  }
0x85: {  	_ =	shalt  }
0x86: {  	_ =	shalt  }
0x87: {  	_ =	shalt  }
.Lfunc_end0:
.L_simem_size_0:
called_computation_lowered:
.L_overlay_start_0:
0x88: {  	s2 =	sld [smem:$0x3FD9]  }
0x89: {  	s3 =	sld [smem:$0x3FFE];
	_ =	sdelay $0x1  }
0x8a: {  	s1 =	srdreg.scid  }
0x8b: {  	s0 =	sand.u32 $0x1, s1  }
0x8c: {  	s17 =	sshll.u32 s0, $0xA;
	s2 =	sadd.s32 s3, s2  }
0x8d: {  	s2 =	sadd.s32 s2, s17  }
0x8e: {  	[smem:$0x3FC6] =	sst s2  }
0x8f: {  	_ = 	snop  }
0x90: {  	s2 =	sld [smem:$0x3FC9]  }
0x91: {  	s18 =	sld [smem:$0x3FC8]  }
0x92: {  	s4 =	sld [smem:$0x3FD0];
	(tm) =	ssettm $0x1  }
0x93: {  	s5 =	sld [smem:$0x3FFB];
	_ =	sdelay $0x3  }
0x94: {  	_ =	strace s5  }
0x95: {  	s5 =	sld [smem:$0x3FFC];
	_ =	sdelay $0x3  }
0x96: {  	_ =	strace s5  }
0x97: {  	s5 =	sld [smem:$0x3FFD];
	_ =	sdelay $0x3  }
0x98: {  	_ =	strace s5  }
0x99: {  	_ =	strace $0x8FFFFFFF  }
0x9a: {  	s19 =	sld [smem:$0x3FDB];
	_ =	sdelay $0x1  }
0x9b: {  	s6 =	simm.s32 $_scs_section_size  }
0x9c: {  	s7 =	simm.s32 $_size__tile_overlayer_lowered;
	s8 =	simm.s32 $_tile_overlayer_lowered  }
0x9d: {  	s22 =	simm.s32 $0x1BFF;
	s21 =	sshll.u32 s8, $0x1;
	s5 =	sadd.s32 s6, s19  }
0x9e: {  	s9 =	simm.s32 $0x0;
	s20 =	sshll.u32 s7, $0x1;
	s7 =	sadd.s32 s21, s5  }
0x9f: {  	[timem:s9], [sflag:s22] =	dma.local [hbm:s7], s20  }
0xa0: {  	_ =	swait.ge [sflag:s22], s20  }
0xa1: {  	s6 =	ssub.s32 $0x0, s20;
	[sflag:s22] =	ssyncset.done $0x0  }
0xa2: {  	[sflag:s22] =	ssyncadd.s32 s6;
	_ =	sdelay $0x1  }
0xa3: {  	s23 =	simm.s32 $0x1B8B  }
0xa4: {  	_ =	swait.ge [sflag:s23], $0x1  }
0xa5: {  	[sflag:s23] =	ssyncset.done $0x0  }
0xa6: {  	s25 =	simm.s32 $0x1B8E;
	s24 =	sld [smem:$0x3FFE];
	[sflag:s23] =	ssyncadd.s32 $0xFFFFFFFF  }
0xa7: {  	s26 =	simm.s32 $execute0_lowered;
	[smem:$0x3FD2] =	sst s25  }
0xa8: {  	s7 =	sshll.u32 s26, $0x1;
	_ =	strace $0x80000046;
	[dreg:$0x1] =	wrdreg $0xFFFFFFFF  }
0xa9: {  	s28 =	simm.s32 $_size_execute0_lowered;
	s5 =	sadd.s32 s5, s7;
	[dreg:$0x0] =	wrdreg $0x0  }
0xaa: {  	s7 =	sshll.u32 s28, $0x1;
	[dreg:$0x2] =	wrdreg s5  }
0xab: {  	[dreg:$0x3] =	wrdreg s7  }
0xac: {  	[dreg:$0x4] =	wrdreg $0xC0  }
0xad: {  	_ =	task [dreg:s9], $0x5FFFF  }
0xae: {  	[dreg:$0x1] =	wrdreg $0xFFFFFFFF  }
0xaf: {  	[dreg:$0x0] =	wrdreg $0x60  }
0xb0: {  	[dreg:$0x2] =	wrdreg s2  }
0xb1: {  	[dreg:$0x3] =	wrdreg s18  }
0xb2: {  	[dreg:$0x4] =	wrdreg s24  }
0xb3: {  	[dreg:$0x5] =	wrdreg s4  }
0xb4: {  	[dreg:$0x6] =	wrdreg $0x89000  }
0xb5: {  	[dreg:$0x7] =	wrdreg $0x125800  }
0xb6: {  	[dreg:$0x8] =	wrdreg $0x9  }
0xb7: {  	_ =	task.clear_ibuf [dreg:s9], $0x9FFFF;
	_ =	strace $0x90000046  }
0xb8: {  	s29 =	simm.s32 $0x9;
	_ =	strace $0x80000048  }
0xb9: {  	_ =	swait.ge [sflag:s29], $0x1  }
0xba: {  	[sflag:s29] =	ssyncadd.s32 $0xFFFFFFFF  }
0xbb: {  	_ =	strace $0x90000048  }
0xbc: {  	_ =	sfence  }
0xbd: {  	s30 =	sld [smem:$0x0];
	_ =	sdelay $0x2  }
0xbe: {  	s31 =	sshll.u32 s1, $0xD;
	s1 =	sshrl.u32 s1, $0x2  }
0xbf: {  	s3 =	sand.u32 $0x4000, s31;
	s1 =	sadd.s32 s1, s30  }
0xc0: {  	s0 =	sor.u32 s3, s0;
	s1 =	sshll.u32 s1, $0x11  }
0xc1: {  	s0 =	sor.u32 s1, s0  }
0xc2: {  	s0 =	sadd.s32 $0x8F2B, s0  }
0xc3: {  	[sflag:s0] =	ssyncadd.remote.s32 $0x1  }
0xc4: {  	_ =	sfence.sel $0xFFFF  }
0xc5: {  	[dreg:$0x0] =	wrdreg $0xFFFFFFFF;
	(pc) =	sbr.abs _section_cstart, $3  }
0xc6: {  	[dreg:$0x1] =	wrdreg $0xFFFFFFFF  }
0xc7: {  	_ =	task.clear_ibuf [dreg:s9], $0x2FFFF;
	_ =	strace $0x9FFFFFFF  }
0xc8: {  	(tm) =	ssettm $0x7FFFFFFF  }
0xc9: {  	_ =	shalt  }
tec
execute0_lowered:
.L_overlay_start_1:
0x0: {  	(tag) =	ssettag $0x1  }
0x1: {  	s0 =	rddreg [dreg:$0x0]  }
0x2: {  	s4 =	rddreg [dreg:$0x1]  }
0x3: {  	s5 =	rddreg [dreg:$0x2]  }
0x4: {  	s12 =	rddreg [dreg:$0x3]  }
0x5: {  	s1 =	rddreg [dreg:$0x4]  }
0x6: {  	s2 =	rddreg [dreg:$0x5];
	s3 =	simm.s32 $0x0  }
0x7: {  	s6 =	srdreg.scid;
	s22 =	stileid.u32;
	s8 =	simm.s32 $0x9D  }
0x8: {  	s20 =	simm.s32 $0x1;
	s21 =	simm.s32 $0x100;
	s28 =	simm.s32 $0x2  }
0x9: {  	s29 =	simm.s32 $0x0;
	[smem:$0x7FF] =	sst s3;
	s10 =	smul.u32 $0x138, s22  }
0xa: {  	s9 =	sand.u32 $0x1, s6;
	s7 =	sadd.s32 $0xC00, s5;
	s11 =	smul.u32 $0x9C00, s22  }
0xb: {  	s5 =	sadd.s32 $0x1600, s5;
	p0 =	seq.s32 s22, $0xF;
	s16 =	smul.u32 $0x28000, s22  }
0xc: {  	s24 =	sadd.s32 $0x9C000, s1;
	s25 =	sadd.s32 $0x9C000, s2;
	s17 =	sshll.u32 s22, $0xB  }
0xd: {  	s31 =	sshll.u32 s22, $0x4;
	_ =	strace $0x80000047;
	s6 =	ssub.s32 $0x2, s9  }
0xe: {  	[dreg:$0x7] =	wrdreg s7;
	s7 =	simm.s32 $0xD;
	s13 =	smul.u32 $0x9C400, s9  }
0xf: {  	s17 =	sadd.s32 s17, s0;
	s0 =	sadd.s32 s31, s4;
	s26 =	sshrl.u32 s6, $0x1  }
0x10: {  	s7 =	simm.s32 @!p0 $0x14;
	p0 =	slt.u32 s22, $0x4;
	s18 =	sadd.s32 s11, s1  }
0x11: {  	s19 =	sadd.s32 s11, s2;
	s30 =	sshrl.u32 s16, $0x2;
	s14 =	ssub.s32 s6, s26  }
0x12: {  	s6 =	smul.u32 $0x1388, s9;
	s8 =	simm.s32 @!p0 $0x9C;
	s13 =	sshrl.u32 s13, $0x3  }
0x13: {  	s16 =	sadd.s32 s30, s1;
	p0 =	sne.s32 s22, $0xF;
	s22 =	sshrl.u32 s18, $0x3  }
0x14: {  	s23 =	sshrl.u32 s19, $0x3;
	s26 =	simm.s32 $0x8100;
	s13 =	sadd.s32 $0x13800, s13  }
0x15: {  	s14 =	smax.u32 s14, $0x1;
	s24 =	sshrl.u32 @!p0 s24, $0x3;
	s10 =	sadd.s32 s10, s6  }
0x16: {  	s25 =	sshrl.u32 @!p0 s25, $0x3;
	s9 =	sadd.s32 $0x1388, s6;
	s15 =	sshll.u32 s10, $0x4  }
0x17: {  	s10 =	sadd.s32 s12, s15;
	s11 =	sadd.s32 s5, s15;
	s12 =	sadd.s32 s12, s13  }
0x18: {  	v1 =	vimm.f32 $0.0e+00;
	v0 =	vmov s6;
	s13 =	sadd.s32 s5, s13;
	s15 =	sadd.s32 s30, s2;
	[dreg:$0x8] =	wrdreg s10  }
.LBB2_1:
0x19: {  	s4 =	simm.s32 $0x0;
	s5 =	simm.s32 $0x200  }
.LBB2_2:
0x1a: {  	p1 =	sne.s32 s5, $0xFE00;
	[tilespmem:s4+$0x170] =	vst v1  }
0x1b: {  	[tilespmem:s4+$0x100] =	vst v1  }
0x1c: {  	[tilespmem:s4+$0x110] =	vst v1  }
.Ltmp0:
0x1d: {  	[tilespmem:s4+$0x120] =	vst v1;
	(pc) =	sbr.rel @p1 .LBB2_2-.Ltmp0, $4  }
0x1e: {  	[tilespmem:s4+$0x130] =	vst v1  }
0x1f: {  	[tilespmem:s4+$0x140] =	vst v1  }
0x20: {  	[tilespmem:s4+$0x150] =	vst v1  }
0x21: {  	[tilespmem:s4+$0x160] =	vst v1;
	s4 =	sshra.s32 s5, $0x2;
	s5 =	sadd.s32 $0x200, s5  }
0x22: {  	[tilespmem:s4+$0x170] =	vst v1  }
0x23: {  	[tilespmem:s4+$0x100] =	vst v1  }
0x24: {  	[tilespmem:s4+$0x110] =	vst v1  }
0x25: {  	[tilespmem:s4+$0x120] =	vst v1  }
0x26: {  	[tilespmem:s4+$0x130] =	vst v1  }
0x27: {  	[tilespmem:s4+$0x140] =	vst v1  }
0x28: {  	[tilespmem:s4+$0x150] =	vst v1  }
0x29: {  	[tilespmem:s4+$0x160] =	vst v1;
	s31 =	rddreg [dreg:$0x7];
	s5 =	simm.s32 $0x4100  }
0x2a: {  	[tilespmem:s5], [sflag:$0x1] =	stream.linear.gather [hbm4b:s31+s3], $0x4800, $0x38;
	[tilespmem:$0x13910] =	vst v63  }
0x2b: {  	_ =	swait.ge [sflag:s20], $0x4800  }
0x2c: {  	[sflag:s20] =	ssyncset.done $0x0  }
0x2d: {  	[sflag:s20] =	ssyncadd.s32 $0xFFFFB800  }
0x2e: {  	[spmem:s16] =	stream.linear.scatter [tilespmem:s21], [sflag:$0x1], $0x800, $0x38;
	[tilespmem:$0x13910] =	vst v63  }
0x2f: {  	p1 =	sne.s32 s7, $0x1;
	_ =	swait.ge [sflag:s20], $0x800  }
.Ltmp1:
0x30: {  	[sflag:s20] =	ssyncset.done $0x0;
	(pc) =	sbr.rel @!p1 .LBB2_5-.Ltmp1, $4  }
0x31: {  	[sflag:s20] =	ssyncadd.s32 $0xFFFFF800  }
0x32: {  	[spmem:s15] =	stream.linear.scatter [tilespmem:s26], [sflag:$0x1], $0x800, $0x38;
	[tilespmem:$0x13910] =	vst v63  }
0x33: {  	s4 =	sadd.s32 $0xFFFFFFFF, s7;
	_ =	swait.ge [sflag:s20], $0x800  }
0x34: {  	s18 =	smov.u32 s16;
	s5 =	smov.u32 s15;
	[sflag:s20] =	ssyncset.done $0x0  }
.LBB2_4:
0x35: {  	[sflag:s20] =	ssyncadd.s32 $0xFFFFF800;
	s5 =	sadd.s32 $0x800, s5;
	s18 =	sadd.s32 $0x800, s18  }
0x36: {  	[spmem:s18] =	stream.linear.scatter [tilespmem:s21], [sflag:$0x1], $0x800, $0x38;
	[tilespmem:$0x13910] =	vst v63  }
0x37: {  	p1 =	sne.s32 s4, $0x1;
	s4 =	sadd.s32 $0xFFFFFFFF, s4;
	_ =	swait.ge [sflag:s20], $0x800  }
.Ltmp2:
0x38: {  	[sflag:s20] =	ssyncset.done $0x0;
	(pc) =	sbr.rel @p1 .LBB2_4-.Ltmp2, $4  }
0x39: {  	[sflag:s20] =	ssyncadd.s32 $0xFFFFF800  }
0x3a: {  	[spmem:s5] =	stream.linear.scatter [tilespmem:s26], [sflag:$0x1], $0x800, $0x38;
	[tilespmem:$0x13910] =	vst v63  }
0x3b: {  	_ =	swait.ge [sflag:s20], $0x800  }
0x3c: {  	[sflag:s20] =	ssyncset.done $0x0  }
.LBB2_5:
0x3d: {  	[sflag:s20] =	ssyncadd.s32 $0xFFFFF800  }
0x3e: {  	[bflag:$0x0] =	sbarrier.arrive $0xFFFF  }
0x3f: {  	[tilespmem:s3], [sflag:$0x2] =	stream.linear.gather [hbm4b:s0+s3], $0x80, $0x38;
	[tilespmem:$0x13910] =	vst v63  }
0x40: {  	_ =	swait.ge [sflag:s28], $0x80  }
0x41: {  	[sflag:s28] =	ssyncset.done $0x0  }
0x42: {  	[sflag:s28] =	ssyncadd.s32 $0xFFFFFF80  }
0x43: {  	v2 =	vld [tilespmem:$0x0]  }
0x44: {  	v3 =	vld [tilespmem:$0x70];
	_ =	sdelay $0x3  }
0x45: {  	(v2sf) =	vpush v2, $0x0  }
0x46: {  	(v2sf) =	vpush v3, $0xF;
	_ =	sdelay $0xd  }
0x47: {  	s4 =	spop (v2sf)  }
0x48: {  	p1 =	sge.s32 s4, s9;
	s4 =	spop (v2sf)  }
0x49: {  	p2 =	slt.s32 @!p1 s4, s6  }
0x4a: {  	p1 =	por p2, p1  }
0x4b: {  	s5 =	simm.s32 @!p1 $0x0;
	s4 =	simm.s32 @!p1 $0x100;
	s19 =	simm.s32 @!p1 $0x2  }
0x4c: {  	[tilespmem:s4], [sflag:$0x2] =	stream.linear.gather @!p1 [hbm4b:s17+s5], $0x4000, $0x38;
	[tilespmem:$0x13910] =	vst v63  }
0x4d: {  	_ =	swait.ge @!p1 [sflag:s19], $0x4000  }
0x4e: {  	[sflag:s19] =	ssyncset.done @!p1 $0x0  }
0x4f: {  	[sflag:s19] =	ssyncadd.s32 @!p1 $0xFFFFC000  }
0x50: {  	v2 =	vld @!p1 [tilespmem:$0x30]  }
0x51: {  	v3 =	vld @!p1 [tilespmem:$0x50]  }
0x52: {  	v4 =	vld @!p1 [tilespmem:$0x40]  }
0x53: {  	v5 =	vld @!p1 [tilespmem:$0x20];
	_ =	sdelay $0x1  }
0x54: {  	v6 =	vld @!p1 [tilespmem:$0x10]  }
0x55: {  	v7 =	vld @!p1 [tilespmem:$0x0];
	v2 =	vsub.s32 @!p1 v2, v0  }
0x56: {  	s30 =	sadd.s32 $0xFFFFFFFF, s8;
	v8 =	vld @!p1 [tilespmem:$0x70];
	v3 =	vsub.s32 @!p1 v3, v0;
	v2 =	vmin.u32 @!p1 v2, $0x1388  }
0x57: {  	p2 =	sne.s32 s30, $0x0;
	v5 =	vsub.s32 @!p1 v5, v0;
	v3 =	vmin.u32 @!p1 v3, $0x1388;
	[tilespmem:$0xB0] =	vst @!p1 v2;
	v2 =	vsub.s32 @!p1 v4, v0;
	v4 =	vld @!p1 [tilespmem:$0x60]  }
.Ltmp3:
0x58: {  	v5 =	vmin.u32 @!p1 v5, $0x1388;
	[tilespmem:$0xD0] =	vst @!p1 v3;
	(pc) =	sbr.rel @!p2 .LBB2_7-.Ltmp3, $4  }
0x59: {  	v3 =	vsub.s32 @!p1 v6, v0;
	[tilespmem:$0xA0] =	vst @!p1 v5;
	v2 =	vmin.u32 @!p1 v2, $0x1388  }
0x5a: {  	v3 =	vmin.u32 @!p1 v3, $0x1388;
	[tilespmem:$0xC0] =	vst @!p1 v2;
	v2 =	vsub.s32 @!p1 v7, v0  }
0x5b: {  	[tilespmem:$0x90] =	vst @!p1 v3;
	v3 =	vsub.s32 @!p1 v8, v0;
	v2 =	vmin.u32 @!p1 v2, $0x1388  }
0x5c: {  	s31 =	smov.u32 s17;
	s18 =	smov.u32 s0;
	s5 =	simm.s32 @!p1 $0x80;
	v3 =	vmin.u32 @!p1 v3, $0x1388;
	[tilespmem:$0x80] =	vst @!p1 v2;
	v2 =	vsub.s32 @!p1 v4, v0  }
.LBB2_6:
0x5d: {  	s30 =	sadd.s32 $0xFFFFFFFF, s30;
	v2 =	vmin.u32 @!p1 v2, $0x1388;
	[tilespmem:$0xF0] =	vst @!p1 v3;
	s31 =	sadd.s32 $0x8000, s31;
	s18 =	sadd.s32 $0x100, s18  }
0x5e: {  	p2 =	sne.s32 s30, $0x0;
	[tilespmem:$0xE0] =	vst @!p1 v2  }
0x5f: {  	[spmem:s1] =	stream.indirect.scatter.add.f32 @!p1 [tilespmem:s4], [sflag:$0x2], $0x80, s5, s5, $0xb8;
	[tilespmem:$0x13910] =	vst v63  }
0x60: {  	s4 =	simm.s32 @!p1 $0x4100;
	_ =	swait.ge @!p1 [sflag:s19], $0x4000  }
0x61: {  	s10 =	simm.s32 @!p1 $0x1;
	[sflag:s19] =	ssyncset.done @!p1 $0x0  }
0x62: {  	[sflag:s19] =	ssyncadd.s32 @!p1 $0xFFFFC000  }
0x63: {  	[spmem:s2] =	stream.indirect.scatter.add.f32 @!p1 [tilespmem:s4], [sflag:$0x1], $0x10, s5, s5, $0xb8;
	[tilespmem:$0x13910] =	vst v63  }
0x64: {  	_ =	swait.ge @!p1 [sflag:s10], $0x800  }
0x65: {  	[sflag:s10] =	ssyncset.done @!p1 $0x0  }
0x66: {  	[sflag:s10] =	ssyncadd.s32 @!p1 $0xFFFFF800  }
0x67: {  	[tilespmem:s3], [sflag:$0x2] =	stream.linear.gather [hbm4b:s18+s3], $0x80, $0x38;
	[tilespmem:$0x13910] =	vst v63  }
0x68: {  	_ =	swait.ge [sflag:s28], $0x80  }
0x69: {  	[sflag:s28] =	ssyncset.done $0x0  }
0x6a: {  	[sflag:s28] =	ssyncadd.s32 $0xFFFFFF80  }
0x6b: {  	v2 =	vld [tilespmem:$0x0]  }
0x6c: {  	v3 =	vld [tilespmem:$0x70];
	_ =	sdelay $0x3  }
0x6d: {  	(v2sf) =	vpush v2, $0x0  }
0x6e: {  	(v2sf) =	vpush v3, $0xF;
	_ =	sdelay $0xd  }
0x6f: {  	s4 =	spop (v2sf)  }
0x70: {  	p1 =	sge.s32 s4, s9;
	s4 =	spop (v2sf)  }
0x71: {  	p3 =	slt.s32 @!p1 s4, s6  }
0x72: {  	p1 =	por p3, p1  }
0x73: {  	s5 =	simm.s32 @!p1 $0x0;
	s4 =	simm.s32 @!p1 $0x100;
	s19 =	simm.s32 @!p1 $0x2  }
0x74: {  	[tilespmem:s4], [sflag:$0x2] =	stream.linear.gather @!p1 [hbm4b:s31+s5], $0x4000, $0x38;
	[tilespmem:$0x13910] =	vst v63  }
0x75: {  	s5 =	simm.s32 @!p1 $0x80;
	_ =	swait.ge @!p1 [sflag:s19], $0x4000  }
0x76: {  	[sflag:s19] =	ssyncset.done @!p1 $0x0  }
0x77: {  	[sflag:s19] =	ssyncadd.s32 @!p1 $0xFFFFC000  }
0x78: {  	v2 =	vld @!p1 [tilespmem:$0x30]  }
0x79: {  	v3 =	vld @!p1 [tilespmem:$0x50]  }
0x7a: {  	v4 =	vld @!p1 [tilespmem:$0x40]  }
0x7b: {  	v5 =	vld @!p1 [tilespmem:$0x20]  }
0x7c: {  	v6 =	vld @!p1 [tilespmem:$0x10]  }
0x7d: {  	v7 =	vld @!p1 [tilespmem:$0x0];
	v2 =	vsub.s32 @!p1 v2, v0  }
0x7e: {  	v2 =	vmin.u32 @!p1 v2, $0x1388;
	v3 =	vsub.s32 @!p1 v3, v0;
	v8 =	vld @!p1 [tilespmem:$0x70]  }
0x7f: {  	[tilespmem:$0xB0] =	vst @!p1 v2;
	v2 =	vsub.s32 @!p1 v4, v0;
	v3 =	vmin.u32 @!p1 v3, $0x1388;
	v4 =	vld @!p1 [tilespmem:$0x60]  }
.Ltmp4:
0x80: {  	v5 =	vsub.s32 @!p1 v5, v0;
	v2 =	vmin.u32 @!p1 v2, $0x1388;
	[tilespmem:$0xD0] =	vst @!p1 v3;
	(pc) =	sbr.rel @p2 .LBB2_6-.Ltmp4, $4  }
0x81: {  	v3 =	vsub.s32 @!p1 v6, v0;
	v5 =	vmin.u32 @!p1 v5, $0x1388;
	[tilespmem:$0xC0] =	vst @!p1 v2  }
0x82: {  	v2 =	vsub.s32 @!p1 v7, v0;
	v3 =	vmin.u32 @!p1 v3, $0x1388;
	[tilespmem:$0xA0] =	vst @!p1 v5  }
0x83: {  	v2 =	vmin.u32 @!p1 v2, $0x1388;
	[tilespmem:$0x90] =	vst @!p1 v3;
	v3 =	vsub.s32 @!p1 v8, v0  }
0x84: {  	[tilespmem:$0x80] =	vst @!p1 v2;
	v2 =	vsub.s32 @!p1 v4, v0;
	v3 =	vmin.u32 @!p1 v3, $0x1388  }
.LBB2_7:
0x85: {  	v2 =	vmin.u32 @!p1 v2, $0x1388;
	[tilespmem:$0xF0] =	vst @!p1 v3  }
0x86: {  	[tilespmem:$0xE0] =	vst @!p1 v2  }
0x87: {  	[spmem:s1] =	stream.indirect.scatter.add.f32 @!p1 [tilespmem:s4], [sflag:$0x2], $0x80, s5, s5, $0xb8;
	[tilespmem:$0x13910] =	vst v63  }
0x88: {  	_ =	swait.ge @!p1 [sflag:s19], $0x4000  }
0x89: {  	[sflag:s19] =	ssyncset.done @!p1 $0x0  }
0x8a: {  	s10 =	simm.s32 @!p1 $0x1;
	s4 =	simm.s32 @!p1 $0x4100;
	[sflag:s19] =	ssyncadd.s32 @!p1 $0xFFFFC000  }
0x8b: {  	[spmem:s2] =	stream.indirect.scatter.add.f32 @!p1 [tilespmem:s4], [sflag:$0x1], $0x10, s5, s5, $0xb8;
	[tilespmem:$0x13910] =	vst v63  }
0x8c: {  	_ =	swait.ge @!p1 [sflag:s10], $0x800  }
0x8d: {  	[sflag:s10] =	ssyncset.done @!p1 $0x0  }
0x8e: {  	s30 =	stileid.u32;
	[sflag:s10] =	ssyncadd.s32 @!p1 $0xFFFFF800  }
0x8f: {  	s4 =	sshll.u32 s30, $0x6;
	[bflag:$0x0] =	sbarrier.arrive $0xFFFF  }
0x90: {  	s4 =	sor.u32 $0x1C01, s4;
	s31 =	rddreg [dreg:$0x8]  }
0x91: {  	[hbm:s31], [sflag:s4] =	dma.local [spmem:s22], $0x1380  }
0x92: {  	_ =	swait.ge [sflag:s20], $0x1380  }
0x93: {  	[sflag:s20] =	ssyncset.done $0x0  }
0x94: {  	[sflag:s20] =	ssyncadd.s32 $0xFFFFEC80  }
0x95: {  	[hbm:s11], [sflag:s4] =	dma.local [spmem:s23], $0x1380  }
0x96: {  	_ =	swait.ge [sflag:s20], $0x1380  }
0x97: {  	[sflag:s20] =	ssyncset.done $0x0  }
0x98: {  	s5 =	simm.s32 @!p0 $0x1;
	[sflag:s20] =	ssyncadd.s32 $0xFFFFEC80  }
0x99: {  	[hbm:s12], [sflag:s4] =	dma.local @!p0 [spmem:s24], $0x80  }
0x9a: {  	s29 =	sadd.s32 $0x1, s29;
	_ =	swait.ge @!p0 [sflag:s5], $0x80  }
0x9b: {  	p1 =	sne.s32 s29, s14;
	[sflag:s5] =	ssyncset.done @!p0 $0x0  }
.Ltmp5:
0x9c: {  	[sflag:s5] =	ssyncadd.s32 @!p0 $0xFFFFFF80;
	(pc) =	sbr.rel @p1 .LBB2_1-.Ltmp5, $4  }
0x9d: {  	[hbm:s13], [sflag:s4] =	dma.local @!p0 [spmem:s25], $0x80  }
0x9e: {  	_ =	swait.ge @!p0 [sflag:s5], $0x80  }
0x9f: {  	[sflag:s5] =	ssyncset.done @!p0 $0x0  }
0xa0: {  	[sflag:s5] =	ssyncadd.s32 @!p0 $0xFFFFFF80  }
0xa1: {  	_ =	sfence.sel $0x180000  }
0xa2: {  	[bflag:$0x0] =	sbarrier.arrive $0xFFFF  }
0xa3: {  	_ =	strace $0x90000047  }
0xa4: {  	s0 =	stileid.u32;
	[bflag:$0x2] =	sbarrier.arrive $0xFFFF  }
0xa5: {  	p0 =	sne.s32 s0, $0x0;
	s0 =	rddreg [dreg:$0x6]  }
0xa6: {  	s0 =	sadd.s32 @!p0 $0x100000, s0  }
0xa7: {  	[sflag:s0] =	ssyncadd.tile.s32 @!p0 $0x1;
	_ =	shalt  }
.Lfunc_end2:
_tile_overlayer_lowered:
.L_overlay_start_2:
0xa8: {  	(tag) =	ssettag $0x2  }
0xa9: {  	s0 =	rddreg [dreg:$0x0];
	s2 =	stileid.u32  }
0xaa: {  	s1 =	rddreg [dreg:$0x1];
	p0 =	sne.s32 s2, $0x0  }
0xab: {  	s3 =	rddreg [dreg:$0x2];
	[bflag:$0x3] =	sbarrier.arrive $0xFFFF;
	s2 =	simm.s32 @!p0 $0x1C01  }
0xac: {  	[timem:s3], [sflag:s2] =	dma.local @!p0 [hbm:s0], s1  }
0xad: {  	s0 =	simm.s32 @!p0 $0x1  }
0xae: {  	_ =	swait.ge @!p0 [sflag:s0], s1  }
0xaf: {  	s1 =	ssub.s32 @!p0 $0x0, s1;
	[sflag:s0] =	ssyncset.done @!p0 $0x0  }
0xb0: {  	[sflag:s0] =	ssyncadd.s32 @!p0 s1  }
0xb1: {  	[bflag:$0x3] =	sbarrier.arrive $0xFFFF  }
0xb2: {  	_ =	shalt  }

</sc_bundles>
